<compile_context>
chip_gen: v7x
topology: tpu7x:2x2x1
jax: 0.10.2.dev20260603
libtpu: 0.0.44.dev20260713+nightly
codegen_flags: <defaults>
</compile_context>

<pallas_src>
import functools

import jax
import jax.numpy as jnp
from jax import lax
from jax.experimental import pallas as pl
from jax.experimental.pallas import tpu as pltpu
from jax.experimental.pallas import tpu_sc as plsc

INPUT_DIM = 1000000
EMBED_DIM = 64
OUTPUT_DIM = 128
BATCH = 16384

_NC = 2
_NS = 16
_NW = _NC * _NS
_B_PER_W = BATCH // _NW
_LANES = 128
_NBUF = 10

_sc_mesh = plsc.VectorSubcoreMesh(core_axis_name="c", subcore_axis_name="s")


@functools.partial(
    pl.kernel,
    mesh=_sc_mesh,
    compiler_params=pltpu.CompilerParams(needs_layout_passes=False),
    out_type=jax.ShapeDtypeStruct((EMBED_DIM, BATCH), jnp.float32),
    scratch_types=[
        pltpu.VMEM((_B_PER_W,), jnp.int32),
        pltpu.VMEM((EMBED_DIM, _B_PER_W), jnp.float32),
        [pltpu.VMEM((EMBED_DIM, _LANES), jnp.float32) for _ in range(_NBUF)],
        [pltpu.SemaphoreType.DMA for _ in range(_NBUF)],
    ],
)
def _sc_gather_t(table_t_hbm, idx_hbm, out_hbm, idx_v, cols_v, stages, sems):
    wid = lax.axis_index("s") * _NC + lax.axis_index("c")
    base = wid * _B_PER_W
    pltpu.sync_copy(idx_hbm.at[pl.ds(base, _B_PER_W)], idx_v)

    iota16 = lax.iota(jnp.int32, 16)

    @pl.loop(0, _B_PER_W, step=16)
    def _grp(g):
        vec = idx_v[pl.ds(g, 16)]
        tvec = lax.shift_right_logical(vec, 7)
        cvec = lax.bitwise_and(vec, jnp.full((16,), 127, jnp.int32))

        def fire(l):
            off = pl.multiple_of(tvec[l] * _LANES, 128)
            pltpu.async_copy(
                table_t_hbm.at[:, pl.ds(off, _LANES)],
                stages[l % _NBUF],
                sems[l % _NBUF],
            )

        def extract(l):
            pltpu.make_async_copy(
                table_t_hbm.at[:, pl.ds(0, _LANES)],
                stages[l % _NBUF],
                sems[l % _NBUF],
            ).wait()
            col = jnp.full((16,), 1, jnp.int32) * cvec[l]
            pos = jnp.full((16,), 1, jnp.int32) * (g + l)
            for q in range(EMBED_DIM // 16):
                rows = iota16 + (16 * q)
                vals = plsc.load_gather(stages[l % _NBUF], [rows, col])
                plsc.store_scatter(cols_v, [rows, pos], vals)

        for l in range(_NBUF - 1):
            fire(l)
        for l in range(16):
            if l + _NBUF - 1 < 16:
                fire(l + _NBUF - 1)
            extract(l)

    pltpu.sync_copy(cols_v, out_hbm.at[:, pl.ds(base, _B_PER_W)])


def _mm_body(et_ref, w_ref, b_ref, o_ref):
    o_ref[...] = (
        lax.dot_general(
            et_ref[...], w_ref[...],
            (((0,), (1,)), ((), ())),
            preferred_element_type=jnp.float32,
        )
        + b_ref[...]
    )


_M_BLK = 2048


def _tc_linear_t(e_t, fc_w, fc_b2):
    return pl.pallas_call(
        _mm_body,
        grid=(BATCH // _M_BLK,),
        in_specs=[
            pl.BlockSpec((EMBED_DIM, _M_BLK), lambda i: (0, i)),
            pl.BlockSpec((OUTPUT_DIM, EMBED_DIM), lambda i: (0, 0)),
            pl.BlockSpec((1, OUTPUT_DIM), lambda i: (0, 0)),
        ],
        out_specs=pl.BlockSpec((_M_BLK, OUTPUT_DIM), lambda i: (i, 0)),
        out_shape=jax.ShapeDtypeStruct((BATCH, OUTPUT_DIM), jnp.float32),
    )(e_t, fc_w, fc_b2)


def kernel(_x, x, emb_table, fc_w, fc_b):
    idx = x.astype(jnp.int32)
    e_t = _sc_gather_t(emb_table.T, idx)
    return _tc_linear_t(e_t, fc_w, fc_b.reshape(1, OUTPUT_DIM))

# --- scband reference (transcript-rebuilt; emitter-appended) ---
"""Pipeline reference for scband-pass-through-model-2594160247167 (READ-ONLY COPY).

The authoritative reference and input builder live on the scoring server;
editing this copy changes nothing except your own understanding.
"""

import jax, jax.numpy as jnp
import numpy as np

INPUT_DIM = 1000000
EMBED_DIM = 64
OUTPUT_DIM = 128
BATCH = 16384

def setup_inputs(seed: int = 0) -> dict:
    key = jax.random.key(seed)
    k1, k2, k3, k4, k5 = jax.random.split(key, 5)
    _x = jax.random.normal(k1, (BATCH, 1), dtype=jnp.float32)
    x = jax.random.randint(k2, (BATCH,), 0, INPUT_DIM, dtype=jnp.int64)
    emb_table = jax.random.normal(k3, (INPUT_DIM, EMBED_DIM), dtype=jnp.float32) * 0.02
    fc_w = jax.random.normal(k4, (OUTPUT_DIM, EMBED_DIM), dtype=jnp.float32) * (1.0 / np.sqrt(EMBED_DIM))
    fc_b = jax.random.normal(k5, (OUTPUT_DIM,), dtype=jnp.float32) * 0.01
    return {"_x": _x, "x": x, "emb_table": emb_table, "fc_w": fc_w, "fc_b": fc_b}

def reference(_x, x, emb_table, fc_w, fc_b):
    # x = self.embedding(x.long())
    e = jnp.take(emb_table, x, axis=0)  # [B, EMBED_DIM]
    # x = x.view(x.size(0), -1)
    e = e.reshape(e.shape[0], -1)
    # x = self.fc(x)
    out = e @ fc_w.T + fc_b
    return out

if __name__ == "__main__":
    import jax
    _d = setup_inputs()
    print(jax.jit(kernel)(*tuple(_d.values())))

</pallas_src>

<mosaic_0001>
#map = affine_map<(d0, d1) -> (0, 0)>
#map1 = affine_map<(d0, d1) -> (0)>
module attributes {stable_mosaic.version = 14 : i64} {
  func.func @_sc_gather_t(%arg0: i32, %arg1: i32, %arg2: memref<64x1000000xf32, #tpu.memory_space<hbm>>, %arg3: memref<16384xi32, #tpu.memory_space<hbm>>, %arg4: memref<64x16384xf32, #tpu.memory_space<hbm>>, %arg5: memref<512xi32, #tpu.memory_space<vmem>>, %arg6: memref<64x512xf32, #tpu.memory_space<vmem>>, %arg7: memref<64x128xf32, #tpu.memory_space<vmem>>, %arg8: memref<64x128xf32, #tpu.memory_space<vmem>>, %arg9: memref<64x128xf32, #tpu.memory_space<vmem>>, %arg10: memref<64x128xf32, #tpu.memory_space<vmem>>, %arg11: memref<64x128xf32, #tpu.memory_space<vmem>>, %arg12: memref<64x128xf32, #tpu.memory_space<vmem>>, %arg13: memref<64x128xf32, #tpu.memory_space<vmem>>, %arg14: memref<64x128xf32, #tpu.memory_space<vmem>>, %arg15: memref<64x128xf32, #tpu.memory_space<vmem>>, %arg16: memref<64x128xf32, #tpu.memory_space<vmem>>, %arg17: memref<!tpu.dma_semaphore, #tpu.memory_space<semaphore_mem>>, %arg18: memref<!tpu.dma_semaphore, #tpu.memory_space<semaphore_mem>>, %arg19: memref<!tpu.dma_semaphore, #tpu.memory_space<semaphore_mem>>, %arg20: memref<!tpu.dma_semaphore, #tpu.memory_space<semaphore_mem>>, %arg21: memref<!tpu.dma_semaphore, #tpu.memory_space<semaphore_mem>>, %arg22: memref<!tpu.dma_semaphore, #tpu.memory_space<semaphore_mem>>, %arg23: memref<!tpu.dma_semaphore, #tpu.memory_space<semaphore_mem>>, %arg24: memref<!tpu.dma_semaphore, #tpu.memory_space<semaphore_mem>>, %arg25: memref<!tpu.dma_semaphore, #tpu.memory_space<semaphore_mem>>, %arg26: memref<!tpu.dma_semaphore, #tpu.memory_space<semaphore_mem>>) attributes {dimension_semantics = [#tpu.dimension_semantics<core_parallel>, #tpu.dimension_semantics<subcore_parallel>], iteration_bounds = array<i64: 2, 16>, scalar_prefetch = 0 : i64, scratch_operands = 22 : i64, tpu.core_type = #tpu.core_type<sc_vector_subcore>, window_params = [{transform_indices = #map}, {transform_indices = #map1}, {transform_indices = #map}]} {
    %mul3A = arith.constant 2 : i32
    %mul3A_0 = arith.muli %arg1, %mul3A : i32
    %add3A = arith.addi %mul3A_0, %arg0 : i32
    %mul3A_1 = arith.constant 512 : i32
    %mul3A_2 = arith.muli %add3A, %mul3A_1 : i32
    "tpu.region"() ({
      %run_scoped3A = tpu.sem_alloc : memref<!tpu.dma_semaphore, #tpu.memory_space<semaphore_mem>>
      %dma_start3A = tpu.memref_slice %arg3[%mul3A_2] : memref<16384xi32, #tpu.memory_space<hbm>> -> memref<512xi32, #tpu.memory_space<hbm>>
      %dma_start3A_7 = tpu.memref_slice %arg3[%mul3A_2] : memref<16384xi32, #tpu.memory_space<hbm>> -> memref<512xi32, #tpu.memory_space<hbm>>
      tpu.enqueue_dma source(%dma_start3A_7 : memref<512xi32, #tpu.memory_space<hbm>>) target(%arg5 : memref<512xi32, #tpu.memory_space<vmem>>) target_semaphore(%run_scoped3A : memref<!tpu.dma_semaphore, #tpu.memory_space<semaphore_mem>>)
      %dma_wait3A = tpu.memref_slice %arg3[%mul3A_2] : memref<16384xi32, #tpu.memory_space<hbm>> -> memref<512xi32, #tpu.memory_space<hbm>>
      %dma_wait3A_8 = tpu.memref_slice %arg3[%mul3A_2] : memref<16384xi32, #tpu.memory_space<hbm>> -> memref<512xi32, #tpu.memory_space<hbm>>
      tpu.wait_dma2 semaphore(%run_scoped3A : memref<!tpu.dma_semaphore, #tpu.memory_space<semaphore_mem>>) src(%dma_wait3A_8 : memref<512xi32, #tpu.memory_space<hbm>>) dst(%arg5 : memref<512xi32, #tpu.memory_space<vmem>>)
      tpu.yield
    }) : () -> ()
    %iota3A = tpu.iota {dimensions = array<i32: 0>} : vector<16xi32>
    %scan3A = arith.constant 0 : i32
    %scan3A_3 = arith.constant 32 : i32
    %scan3A_4 = arith.addi %scan3A, %scan3A_3 : i32
    %scan3A_5 = arith.constant 1 : i32
    scf.for %scan3A_7 = %scan3A to %scan3A_4 step %scan3A_5  : i32 {
      %mul3A_8 = arith.constant 16 : i32
      %mul3A_9 = arith.muli %scan3A_7, %mul3A_8 : i32
      %add3A_10 = arith.constant 0 : i32
      %add3A_11 = arith.addi %add3A_10, %mul3A_9 : i32
      %get3A = arith.index_cast %add3A_11 : i32 to index
      %get3A_12 = tpu.vector_load %arg5[%get3A] {strides = array<i32>} : memref<512xi32, #tpu.memory_space<vmem>>, vector<16xi32>,
      %shift_right_logical3A = arith.constant 7 : i32
      %shift_right_logical3A_13 = vector.broadcast %shift_right_logical3A : i32 to vector<16xi32>
      %shift_right_logical3A_14 = arith.shrui %get3A_12, %shift_right_logical3A_13 : vector<16xi32>
      %broadcast_in_dim3A = arith.constant 127 : i32
      %broadcast_in_dim3A_15 = vector.broadcast %broadcast_in_dim3A : i32 to vector<16xi32>
      %and3A = arith.andi %get3A_12, %broadcast_in_dim3A_15 : vector<16xi32>
      %slice3A = vector.extract_strided_slice %shift_right_logical3A_14 {offsets = [0], sizes = [1], strides = [1]} : vector<16xi32> to vector<1xi32>
      %squeeze3A = vector.extract %slice3A[0] : i32 from vector<1xi32>
      %mul3A_16 = arith.constant 128 : i32
      %mul3A_17 = arith.muli %squeeze3A, %mul3A_16 : i32
      %multiple_of3A = tpu.assume_multiple %mul3A_17, 128 : i32
      %dma_start3A = arith.constant 0 : i32
      %dma_start3A_18 = tpu.memref_slice %arg2[%dma_start3A, %multiple_of3A] : memref<64x1000000xf32, #tpu.memory_space<hbm>> -> memref<64x128xf32, #tpu.memory_space<hbm>>
      %dma_start3A_19 = arith.constant 0 : i32
      %dma_start3A_20 = tpu.memref_slice %arg2[%dma_start3A_19, %multiple_of3A] : memref<64x1000000xf32, #tpu.memory_space<hbm>> -> memref<64x128xf32, #tpu.memory_space<hbm>>
      tpu.enqueue_dma source(%dma_start3A_20 : memref<64x128xf32, #tpu.memory_space<hbm>>) target(%arg7 : memref<64x128xf32, #tpu.memory_space<vmem>>) target_semaphore(%arg17 : memref<!tpu.dma_semaphore, #tpu.memory_space<semaphore_mem>>)
      %slice3A_21 = vector.extract_strided_slice %shift_right_logical3A_14 {offsets = [1], sizes = [1], strides = [1]} : vector<16xi32> to vector<1xi32>
      %squeeze3A_22 = vector.extract %slice3A_21[0] : i32 from vector<1xi32>
      %mul3A_23 = arith.constant 128 : i32
      %mul3A_24 = arith.muli %squeeze3A_22, %mul3A_23 : i32
      %multiple_of3A_25 = tpu.assume_multiple %mul3A_24, 128 : i32
      %dma_start3A_26 = arith.constant 0 : i32
      %dma_start3A_27 = tpu.memref_slice %arg2[%dma_start3A_26, %multiple_of3A_25] : memref<64x1000000xf32, #tpu.memory_space<hbm>> -> memref<64x128xf32, #tpu.memory_space<hbm>>
      %dma_start3A_28 = arith.constant 0 : i32
      %dma_start3A_29 = tpu.memref_slice %arg2[%dma_start3A_28, %multiple_of3A_25] : memref<64x1000000xf32, #tpu.memory_space<hbm>> -> memref<64x128xf32, #tpu.memory_space<hbm>>
      tpu.enqueue_dma source(%dma_start3A_29 : memref<64x128xf32, #tpu.memory_space<hbm>>) target(%arg8 : memref<64x128xf32, #tpu.memory_space<vmem>>) target_semaphore(%arg18 : memref<!tpu.dma_semaphore, #tpu.memory_space<semaphore_mem>>)
      %slice3A_30 = vector.extract_strided_slice %shift_right_logical3A_14 {offsets = [2], sizes = [1], strides = [1]} : vector<16xi32> to vector<1xi32>
      %squeeze3A_31 = vector.extract %slice3A_30[0] : i32 from vector<1xi32>
      %mul3A_32 = arith.constant 128 : i32
      %mul3A_33 = arith.muli %squeeze3A_31, %mul3A_32 : i32
      %multiple_of3A_34 = tpu.assume_multiple %mul3A_33, 128 : i32
      %dma_start3A_35 = arith.constant 0 : i32
      %dma_start3A_36 = tpu.memref_slice %arg2[%dma_start3A_35, %multiple_of3A_34] : memref<64x1000000xf32, #tpu.memory_space<hbm>> -> memref<64x128xf32, #tpu.memory_space<hbm>>
      %dma_start3A_37 = arith.constant 0 : i32
      %dma_start3A_38 = tpu.memref_slice %arg2[%dma_start3A_37, %multiple_of3A_34] : memref<64x1000000xf32, #tpu.memory_space<hbm>> -> memref<64x128xf32, #tpu.memory_space<hbm>>
      tpu.enqueue_dma source(%dma_start3A_38 : memref<64x128xf32, #tpu.memory_space<hbm>>) target(%arg9 : memref<64x128xf32, #tpu.memory_space<vmem>>) target_semaphore(%arg19 : memref<!tpu.dma_semaphore, #tpu.memory_space<semaphore_mem>>)
      %slice3A_39 = vector.extract_strided_slice %shift_right_logical3A_14 {offsets = [3], sizes = [1], strides = [1]} : vector<16xi32> to vector<1xi32>
      %squeeze3A_40 = vector.extract %slice3A_39[0] : i32 from vector<1xi32>
      %mul3A_41 = arith.constant 128 : i32
      %mul3A_42 = arith.muli %squeeze3A_40, %mul3A_41 : i32
      %multiple_of3A_43 = tpu.assume_multiple %mul3A_42, 128 : i32
      %dma_start3A_44 = arith.constant 0 : i32
      %dma_start3A_45 = tpu.memref_slice %arg2[%dma_start3A_44, %multiple_of3A_43] : memref<64x1000000xf32, #tpu.memory_space<hbm>> -> memref<64x128xf32, #tpu.memory_space<hbm>>
      %dma_start3A_46 = arith.constant 0 : i32
      %dma_start3A_47 = tpu.memref_slice %arg2[%dma_start3A_46, %multiple_of3A_43] : memref<64x1000000xf32, #tpu.memory_space<hbm>> -> memref<64x128xf32, #tpu.memory_space<hbm>>
      tpu.enqueue_dma source(%dma_start3A_47 : memref<64x128xf32, #tpu.memory_space<hbm>>) target(%arg10 : memref<64x128xf32, #tpu.memory_space<vmem>>) target_semaphore(%arg20 : memref<!tpu.dma_semaphore, #tpu.memory_space<semaphore_mem>>)
      %slice3A_48 = vector.extract_strided_slice %shift_right_logical3A_14 {offsets = [4], sizes = [1], strides = [1]} : vector<16xi32> to vector<1xi32>
      %squeeze3A_49 = vector.extract %slice3A_48[0] : i32 from vector<1xi32>
      %mul3A_50 = arith.constant 128 : i32
      %mul3A_51 = arith.muli %squeeze3A_49, %mul3A_50 : i32
      %multiple_of3A_52 = tpu.assume_multiple %mul3A_51, 128 : i32
      %dma_start3A_53 = arith.constant 0 : i32
      %dma_start3A_54 = tpu.memref_slice %arg2[%dma_start3A_53, %multiple_of3A_52] : memref<64x1000000xf32, #tpu.memory_space<hbm>> -> memref<64x128xf32, #tpu.memory_space<hbm>>
      %dma_start3A_55 = arith.constant 0 : i32
      %dma_start3A_56 = tpu.memref_slice %arg2[%dma_start3A_55, %multiple_of3A_52] : memref<64x1000000xf32, #tpu.memory_space<hbm>> -> memref<64x128xf32, #tpu.memory_space<hbm>>
      tpu.enqueue_dma source(%dma_start3A_56 : memref<64x128xf32, #tpu.memory_space<hbm>>) target(%arg11 : memref<64x128xf32, #tpu.memory_space<vmem>>) target_semaphore(%arg21 : memref<!tpu.dma_semaphore, #tpu.memory_space<semaphore_mem>>)
      %slice3A_57 = vector.extract_strided_slice %shift_right_logical3A_14 {offsets = [5], sizes = [1], strides = [1]} : vector<16xi32> to vector<1xi32>
      %squeeze3A_58 = vector.extract %slice3A_57[0] : i32 from vector<1xi32>
      %mul3A_59 = arith.constant 128 : i32
      %mul3A_60 = arith.muli %squeeze3A_58, %mul3A_59 : i32
      %multiple_of3A_61 = tpu.assume_multiple %mul3A_60, 128 : i32
      %dma_start3A_62 = arith.constant 0 : i32
      %dma_start3A_63 = tpu.memref_slice %arg2[%dma_start3A_62, %multiple_of3A_61] : memref<64x1000000xf32, #tpu.memory_space<hbm>> -> memref<64x128xf32, #tpu.memory_space<hbm>>
      %dma_start3A_64 = arith.constant 0 : i32
      %dma_start3A_65 = tpu.memref_slice %arg2[%dma_start3A_64, %multiple_of3A_61] : memref<64x1000000xf32, #tpu.memory_space<hbm>> -> memref<64x128xf32, #tpu.memory_space<hbm>>
      tpu.enqueue_dma source(%dma_start3A_65 : memref<64x128xf32, #tpu.memory_space<hbm>>) target(%arg12 : memref<64x128xf32, #tpu.memory_space<vmem>>) target_semaphore(%arg22 : memref<!tpu.dma_semaphore, #tpu.memory_space<semaphore_mem>>)
      %slice3A_66 = vector.extract_strided_slice %shift_right_logical3A_14 {offsets = [6], sizes = [1], strides = [1]} : vector<16xi32> to vector<1xi32>
      %squeeze3A_67 = vector.extract %slice3A_66[0] : i32 from vector<1xi32>
      %mul3A_68 = arith.constant 128 : i32
      %mul3A_69 = arith.muli %squeeze3A_67, %mul3A_68 : i32
      %multiple_of3A_70 = tpu.assume_multiple %mul3A_69, 128 : i32
      %dma_start3A_71 = arith.constant 0 : i32
      %dma_start3A_72 = tpu.memref_slice %arg2[%dma_start3A_71, %multiple_of3A_70] : memref<64x1000000xf32, #tpu.memory_space<hbm>> -> memref<64x128xf32, #tpu.memory_space<hbm>>
      %dma_start3A_73 = arith.constant 0 : i32
      %dma_start3A_74 = tpu.memref_slice %arg2[%dma_start3A_73, %multiple_of3A_70] : memref<64x1000000xf32, #tpu.memory_space<hbm>> -> memref<64x128xf32, #tpu.memory_space<hbm>>
      tpu.enqueue_dma source(%dma_start3A_74 : memref<64x128xf32, #tpu.memory_space<hbm>>) target(%arg13 : memref<64x128xf32, #tpu.memory_space<vmem>>) target_semaphore(%arg23 : memref<!tpu.dma_semaphore, #tpu.memory_space<semaphore_mem>>)
      %slice3A_75 = vector.extract_strided_slice %shift_right_logical3A_14 {offsets = [7], sizes = [1], strides = [1]} : vector<16xi32> to vector<1xi32>
      %squeeze3A_76 = vector.extract %slice3A_75[0] : i32 from vector<1xi32>
      %mul3A_77 = arith.constant 128 : i32
      %mul3A_78 = arith.muli %squeeze3A_76, %mul3A_77 : i32
      %multiple_of3A_79 = tpu.assume_multiple %mul3A_78, 128 : i32
      %dma_start3A_80 = arith.constant 0 : i32
      %dma_start3A_81 = tpu.memref_slice %arg2[%dma_start3A_80, %multiple_of3A_79] : memref<64x1000000xf32, #tpu.memory_space<hbm>> -> memref<64x128xf32, #tpu.memory_space<hbm>>
      %dma_start3A_82 = arith.constant 0 : i32
      %dma_start3A_83 = tpu.memref_slice %arg2[%dma_start3A_82, %multiple_of3A_79] : memref<64x1000000xf32, #tpu.memory_space<hbm>> -> memref<64x128xf32, #tpu.memory_space<hbm>>
      tpu.enqueue_dma source(%dma_start3A_83 : memref<64x128xf32, #tpu.memory_space<hbm>>) target(%arg14 : memref<64x128xf32, #tpu.memory_space<vmem>>) target_semaphore(%arg24 : memref<!tpu.dma_semaphore, #tpu.memory_space<semaphore_mem>>)
      %slice3A_84 = vector.extract_strided_slice %shift_right_logical3A_14 {offsets = [8], sizes = [1], strides = [1]} : vector<16xi32> to vector<1xi32>
      %squeeze3A_85 = vector.extract %slice3A_84[0] : i32 from vector<1xi32>
      %mul3A_86 = arith.constant 128 : i32
      %mul3A_87 = arith.muli %squeeze3A_85, %mul3A_86 : i32
      %multiple_of3A_88 = tpu.assume_multiple %mul3A_87, 128 : i32
      %dma_start3A_89 = arith.constant 0 : i32
      %dma_start3A_90 = tpu.memref_slice %arg2[%dma_start3A_89, %multiple_of3A_88] : memref<64x1000000xf32, #tpu.memory_space<hbm>> -> memref<64x128xf32, #tpu.memory_space<hbm>>
      %dma_start3A_91 = arith.constant 0 : i32
      %dma_start3A_92 = tpu.memref_slice %arg2[%dma_start3A_91, %multiple_of3A_88] : memref<64x1000000xf32, #tpu.memory_space<hbm>> -> memref<64x128xf32, #tpu.memory_space<hbm>>
      tpu.enqueue_dma source(%dma_start3A_92 : memref<64x128xf32, #tpu.memory_space<hbm>>) target(%arg15 : memref<64x128xf32, #tpu.memory_space<vmem>>) target_semaphore(%arg25 : memref<!tpu.dma_semaphore, #tpu.memory_space<semaphore_mem>>)
      %slice3A_93 = vector.extract_strided_slice %shift_right_logical3A_14 {offsets = [9], sizes = [1], strides = [1]} : vector<16xi32> to vector<1xi32>
      %squeeze3A_94 = vector.extract %slice3A_93[0] : i32 from vector<1xi32>
      %mul3A_95 = arith.constant 128 : i32
      %mul3A_96 = arith.muli %squeeze3A_94, %mul3A_95 : i32
      %multiple_of3A_97 = tpu.assume_multiple %mul3A_96, 128 : i32
      %dma_start3A_98 = arith.constant 0 : i32
      %dma_start3A_99 = tpu.memref_slice %arg2[%dma_start3A_98, %multiple_of3A_97] : memref<64x1000000xf32, #tpu.memory_space<hbm>> -> memref<64x128xf32, #tpu.memory_space<hbm>>
      %dma_start3A_100 = arith.constant 0 : i32
      %dma_start3A_101 = tpu.memref_slice %arg2[%dma_start3A_100, %multiple_of3A_97] : memref<64x1000000xf32, #tpu.memory_space<hbm>> -> memref<64x128xf32, #tpu.memory_space<hbm>>
      tpu.enqueue_dma source(%dma_start3A_101 : memref<64x128xf32, #tpu.memory_space<hbm>>) target(%arg16 : memref<64x128xf32, #tpu.memory_space<vmem>>) target_semaphore(%arg26 : memref<!tpu.dma_semaphore, #tpu.memory_space<semaphore_mem>>)
      %dma_wait3A = arith.constant 0 : i32
      %dma_wait3A_102 = arith.constant 0 : i32
      %dma_wait3A_103 = tpu.memref_slice %arg2[%dma_wait3A, %dma_wait3A_102] : memref<64x1000000xf32, #tpu.memory_space<hbm>> -> memref<64x128xf32, #tpu.memory_space<hbm>>
      %dma_wait3A_104 = arith.constant 0 : i32
      %dma_wait3A_105 = arith.constant 0 : i32
      %dma_wait3A_106 = tpu.memref_slice %arg2[%dma_wait3A_104, %dma_wait3A_105] : memref<64x1000000xf32, #tpu.memory_space<hbm>> -> memref<64x128xf32, #tpu.memory_space<hbm>>
      tpu.wait_dma2 semaphore(%arg17 : memref<!tpu.dma_semaphore, #tpu.memory_space<semaphore_mem>>) src(%dma_wait3A_106 : memref<64x128xf32, #tpu.memory_space<hbm>>) dst(%arg7 : memref<64x128xf32, #tpu.memory_space<vmem>>)
      %broadcast_in_dim3A_107 = arith.constant 1 : i32
      %broadcast_in_dim3A_108 = vector.broadcast %broadcast_in_dim3A_107 : i32 to vector<16xi32>
      %slice3A_109 = vector.extract_strided_slice %and3A {offsets = [0], sizes = [1], strides = [1]} : vector<16xi32> to vector<1xi32>
      %squeeze3A_110 = vector.extract %slice3A_109[0] : i32 from vector<1xi32>
      %mul3A_111 = vector.broadcast %squeeze3A_110 : i32 to vector<16xi32>
      %mul3A_112 = arith.muli %broadcast_in_dim3A_108, %mul3A_111 : vector<16xi32>
      %broadcast_in_dim3A_113 = arith.constant 1 : i32
      %broadcast_in_dim3A_114 = vector.broadcast %broadcast_in_dim3A_113 : i32 to vector<16xi32>
      %add3A_115 = arith.constant 0 : i32
      %add3A_116 = arith.addi %add3A_11, %add3A_115 : i32
      %mul3A_117 = vector.broadcast %add3A_116 : i32 to vector<16xi32>
      %mul3A_118 = arith.muli %broadcast_in_dim3A_114, %mul3A_117 : vector<16xi32>
      %add3A_119 = arith.constant 0 : i32
      %add3A_120 = vector.broadcast %add3A_119 : i32 to vector<16xi32>
      %add3A_121 = arith.addi %iota3A, %add3A_120 : vector<16xi32>
      %gather3A = tpu.vector_load_idx %arg7[%add3A_121, %mul3A_112] : memref<64x128xf32, #tpu.memory_space<vmem>>[vector<16xi32>, vector<16xi32>], vector<16xf32>,
      tpu.vector_store_idx %arg6[%add3A_121, %mul3A_118], %gather3A : memref<64x512xf32, #tpu.memory_space<vmem>>[vector<16xi32>, vector<16xi32>], vector<16xf32>,
      %add3A_122 = arith.constant 16 : i32
      %add3A_123 = vector.broadcast %add3A_122 : i32 to vector<16xi32>
      %add3A_124 = arith.addi %iota3A, %add3A_123 : vector<16xi32>
      %gather3A_125 = tpu.vector_load_idx %arg7[%add3A_124, %mul3A_112] : memref<64x128xf32, #tpu.memory_space<vmem>>[vector<16xi32>, vector<16xi32>], vector<16xf32>,
      tpu.vector_store_idx %arg6[%add3A_124, %mul3A_118], %gather3A_125 : memref<64x512xf32, #tpu.memory_space<vmem>>[vector<16xi32>, vector<16xi32>], vector<16xf32>,
      %add3A_126 = arith.constant 32 : i32
      %add3A_127 = vector.broadcast %add3A_126 : i32 to vector<16xi32>
      %add3A_128 = arith.addi %iota3A, %add3A_127 : vector<16xi32>
      %gather3A_129 = tpu.vector_load_idx %arg7[%add3A_128, %mul3A_112] : memref<64x128xf32, #tpu.memory_space<vmem>>[vector<16xi32>, vector<16xi32>], vector<16xf32>,
      tpu.vector_store_idx %arg6[%add3A_128, %mul3A_118], %gather3A_129 : memref<64x512xf32, #tpu.memory_space<vmem>>[vector<16xi32>, vector<16xi32>], vector<16xf32>,
      %add3A_130 = arith.constant 48 : i32
      %add3A_131 = vector.broadcast %add3A_130 : i32 to vector<16xi32>
      %add3A_132 = arith.addi %iota3A, %add3A_131 : vector<16xi32>
      %gather3A_133 = tpu.vector_load_idx %arg7[%add3A_132, %mul3A_112] : memref<64x128xf32, #tpu.memory_space<vmem>>[vector<16xi32>, vector<16xi32>], vector<16xf32>,
      tpu.vector_store_idx %arg6[%add3A_132, %mul3A_118], %gather3A_133 : memref<64x512xf32, #tpu.memory_space<vmem>>[vector<16xi32>, vector<16xi32>], vector<16xf32>,
      %slice3A_134 = vector.extract_strided_slice %shift_right_logical3A_14 {offsets = [10], sizes = [1], strides = [1]} : vector<16xi32> to vector<1xi32>
      %squeeze3A_135 = vector.extract %slice3A_134[0] : i32 from vector<1xi32>
      %mul3A_136 = arith.constant 128 : i32
      %mul3A_137 = arith.muli %squeeze3A_135, %mul3A_136 : i32
      %multiple_of3A_138 = tpu.assume_multiple %mul3A_137, 128 : i32
      %dma_start3A_139 = arith.constant 0 : i32
      %dma_start3A_140 = tpu.memref_slice %arg2[%dma_start3A_139, %multiple_of3A_138] : memref<64x1000000xf32, #tpu.memory_space<hbm>> -> memref<64x128xf32, #tpu.memory_space<hbm>>
      %dma_start3A_141 = arith.constant 0 : i32
      %dma_start3A_142 = tpu.memref_slice %arg2[%dma_start3A_141, %multiple_of3A_138] : memref<64x1000000xf32, #tpu.memory_space<hbm>> -> memref<64x128xf32, #tpu.memory_space<hbm>>
      tpu.enqueue_dma source(%dma_start3A_142 : memref<64x128xf32, #tpu.memory_space<hbm>>) target(%arg7 : memref<64x128xf32, #tpu.memory_space<vmem>>) target_semaphore(%arg17 : memref<!tpu.dma_semaphore, #tpu.memory_space<semaphore_mem>>)
      %dma_wait3A_143 = arith.constant 0 : i32
      %dma_wait3A_144 = arith.constant 0 : i32
      %dma_wait3A_145 = tpu.memref_slice %arg2[%dma_wait3A_143, %dma_wait3A_144] : memref<64x1000000xf32, #tpu.memory_space<hbm>> -> memref<64x128xf32, #tpu.memory_space<hbm>>
      %dma_wait3A_146 = arith.constant 0 : i32
      %dma_wait3A_147 = arith.constant 0 : i32
      %dma_wait3A_148 = tpu.memref_slice %arg2[%dma_wait3A_146, %dma_wait3A_147] : memref<64x1000000xf32, #tpu.memory_space<hbm>> -> memref<64x128xf32, #tpu.memory_space<hbm>>
      tpu.wait_dma2 semaphore(%arg18 : memref<!tpu.dma_semaphore, #tpu.memory_space<semaphore_mem>>) src(%dma_wait3A_148 : memref<64x128xf32, #tpu.memory_space<hbm>>) dst(%arg8 : memref<64x128xf32, #tpu.memory_space<vmem>>)
      %broadcast_in_dim3A_149 = arith.constant 1 : i32
      %broadcast_in_dim3A_150 = vector.broadcast %broadcast_in_dim3A_149 : i32 to vector<16xi32>
      %slice3A_151 = vector.extract_strided_slice %and3A {offsets = [1], sizes = [1], strides = [1]} : vector<16xi32> to vector<1xi32>
      %squeeze3A_152 = vector.extract %slice3A_151[0] : i32 from vector<1xi32>
      %mul3A_153 = vector.broadcast %squeeze3A_152 : i32 to vector<16xi32>
      %mul3A_154 = arith.muli %broadcast_in_dim3A_150, %mul3A_153 : vector<16xi32>
      %broadcast_in_dim3A_155 = arith.constant 1 : i32
      %broadcast_in_dim3A_156 = vector.broadcast %broadcast_in_dim3A_155 : i32 to vector<16xi32>
      %add3A_157 = arith.constant 1 : i32
      %add3A_158 = arith.addi %add3A_11, %add3A_157 : i32
      %mul3A_159 = vector.broadcast %add3A_158 : i32 to vector<16xi32>
      %mul3A_160 = arith.muli %broadcast_in_dim3A_156, %mul3A_159 : vector<16xi32>
      %add3A_161 = arith.constant 0 : i32
      %add3A_162 = vector.broadcast %add3A_161 : i32 to vector<16xi32>
      %add3A_163 = arith.addi %iota3A, %add3A_162 : vector<16xi32>
      %gather3A_164 = tpu.vector_load_idx %arg8[%add3A_163, %mul3A_154] : memref<64x128xf32, #tpu.memory_space<vmem>>[vector<16xi32>, vector<16xi32>], vector<16xf32>,
      tpu.vector_store_idx %arg6[%add3A_163, %mul3A_160], %gather3A_164 : memref<64x512xf32, #tpu.memory_space<vmem>>[vector<16xi32>, vector<16xi32>], vector<16xf32>,
      %add3A_165 = arith.constant 16 : i32
      %add3A_166 = vector.broadcast %add3A_165 : i32 to vector<16xi32>
      %add3A_167 = arith.addi %iota3A, %add3A_166 : vector<16xi32>
      %gather3A_168 = tpu.vector_load_idx %arg8[%add3A_167, %mul3A_154] : memref<64x128xf32, #tpu.memory_space<vmem>>[vector<16xi32>, vector<16xi32>], vector<16xf32>,
      tpu.vector_store_idx %arg6[%add3A_167, %mul3A_160], %gather3A_168 : memref<64x512xf32, #tpu.memory_space<vmem>>[vector<16xi32>, vector<16xi32>], vector<16xf32>,
      %add3A_169 = arith.constant 32 : i32
      %add3A_170 = vector.broadcast %add3A_169 : i32 to vector<16xi32>
      %add3A_171 = arith.addi %iota3A, %add3A_170 : vector<16xi32>
      %gather3A_172 = tpu.vector_load_idx %arg8[%add3A_171, %mul3A_154] : memref<64x128xf32, #tpu.memory_space<vmem>>[vector<16xi32>, vector<16xi32>], vector<16xf32>,
      tpu.vector_store_idx %arg6[%add3A_171, %mul3A_160], %gather3A_172 : memref<64x512xf32, #tpu.memory_space<vmem>>[vector<16xi32>, vector<16xi32>], vector<16xf32>,
      %add3A_173 = arith.constant 48 : i32
      %add3A_174 = vector.broadcast %add3A_173 : i32 to vector<16xi32>
      %add3A_175 = arith.addi %iota3A, %add3A_174 : vector<16xi32>
      %gather3A_176 = tpu.vector_load_idx %arg8[%add3A_175, %mul3A_154] : memref<64x128xf32, #tpu.memory_space<vmem>>[vector<16xi32>, vector<16xi32>], vector<16xf32>,
      tpu.vector_store_idx %arg6[%add3A_175, %mul3A_160], %gather3A_176 : memref<64x512xf32, #tpu.memory_space<vmem>>[vector<16xi32>, vector<16xi32>], vector<16xf32>,
      %slice3A_177 = vector.extract_strided_slice %shift_right_logical3A_14 {offsets = [11], sizes = [1], strides = [1]} : vector<16xi32> to vector<1xi32>
      %squeeze3A_178 = vector.extract %slice3A_177[0] : i32 from vector<1xi32>
      %mul3A_179 = arith.constant 128 : i32
      %mul3A_180 = arith.muli %squeeze3A_178, %mul3A_179 : i32
      %multiple_of3A_181 = tpu.assume_multiple %mul3A_180, 128 : i32
      %dma_start3A_182 = arith.constant 0 : i32
      %dma_start3A_183 = tpu.memref_slice %arg2[%dma_start3A_182, %multiple_of3A_181] : memref<64x1000000xf32, #tpu.memory_space<hbm>> -> memref<64x128xf32, #tpu.memory_space<hbm>>
      %dma_start3A_184 = arith.constant 0 : i32
      %dma_start3A_185 = tpu.memref_slice %arg2[%dma_start3A_184, %multiple_of3A_181] : memref<64x1000000xf32, #tpu.memory_space<hbm>> -> memref<64x128xf32, #tpu.memory_space<hbm>>
      tpu.enqueue_dma source(%dma_start3A_185 : memref<64x128xf32, #tpu.memory_space<hbm>>) target(%arg8 : memref<64x128xf32, #tpu.memory_space<vmem>>) target_semaphore(%arg18 : memref<!tpu.dma_semaphore, #tpu.memory_space<semaphore_mem>>)
      %dma_wait3A_186 = arith.constant 0 : i32
      %dma_wait3A_187 = arith.constant 0 : i32
      %dma_wait3A_188 = tpu.memref_slice %arg2[%dma_wait3A_186, %dma_wait3A_187] : memref<64x1000000xf32, #tpu.memory_space<hbm>> -> memref<64x128xf32, #tpu.memory_space<hbm>>
      %dma_wait3A_189 = arith.constant 0 : i32
      %dma_wait3A_190 = arith.constant 0 : i32
      %dma_wait3A_191 = tpu.memref_slice %arg2[%dma_wait3A_189, %dma_wait3A_190] : memref<64x1000000xf32, #tpu.memory_space<hbm>> -> memref<64x128xf32, #tpu.memory_space<hbm>>
      tpu.wait_dma2 semaphore(%arg19 : memref<!tpu.dma_semaphore, #tpu.memory_space<semaphore_mem>>) src(%dma_wait3A_191 : memref<64x128xf32, #tpu.memory_space<hbm>>) dst(%arg9 : memref<64x128xf32, #tpu.memory_space<vmem>>)
      %broadcast_in_dim3A_192 = arith.constant 1 : i32
      %broadcast_in_dim3A_193 = vector.broadcast %broadcast_in_dim3A_192 : i32 to vector<16xi32>
      %slice3A_194 = vector.extract_strided_slice %and3A {offsets = [2], sizes = [1], strides = [1]} : vector<16xi32> to vector<1xi32>
      %squeeze3A_195 = vector.extract %slice3A_194[0] : i32 from vector<1xi32>
      %mul3A_196 = vector.broadcast %squeeze3A_195 : i32 to vector<16xi32>
      %mul3A_197 = arith.muli %broadcast_in_dim3A_193, %mul3A_196 : vector<16xi32>
      %broadcast_in_dim3A_198 = arith.constant 1 : i32
      %broadcast_in_dim3A_199 = vector.broadcast %broadcast_in_dim3A_198 : i32 to vector<16xi32>
      %add3A_200 = arith.constant 2 : i32
      %add3A_201 = arith.addi %add3A_11, %add3A_200 : i32
      %mul3A_202 = vector.broadcast %add3A_201 : i32 to vector<16xi32>
      %mul3A_203 = arith.muli %broadcast_in_dim3A_199, %mul3A_202 : vector<16xi32>
      %add3A_204 = arith.constant 0 : i32
      %add3A_205 = vector.broadcast %add3A_204 : i32 to vector<16xi32>
      %add3A_206 = arith.addi %iota3A, %add3A_205 : vector<16xi32>
      %gather3A_207 = tpu.vector_load_idx %arg9[%add3A_206, %mul3A_197] : memref<64x128xf32, #tpu.memory_space<vmem>>[vector<16xi32>, vector<16xi32>], vector<16xf32>,
      tpu.vector_store_idx %arg6[%add3A_206, %mul3A_203], %gather3A_207 : memref<64x512xf32, #tpu.memory_space<vmem>>[vector<16xi32>, vector<16xi32>], vector<16xf32>,
      %add3A_208 = arith.constant 16 : i32
      %add3A_209 = vector.broadcast %add3A_208 : i32 to vector<16xi32>
      %add3A_210 = arith.addi %iota3A, %add3A_209 : vector<16xi32>
      %gather3A_211 = tpu.vector_load_idx %arg9[%add3A_210, %mul3A_197] : memref<64x128xf32, #tpu.memory_space<vmem>>[vector<16xi32>, vector<16xi32>], vector<16xf32>,
      tpu.vector_store_idx %arg6[%add3A_210, %mul3A_203], %gather3A_211 : memref<64x512xf32, #tpu.memory_space<vmem>>[vector<16xi32>, vector<16xi32>], vector<16xf32>,
      %add3A_212 = arith.constant 32 : i32
      %add3A_213 = vector.broadcast %add3A_212 : i32 to vector<16xi32>
      %add3A_214 = arith.addi %iota3A, %add3A_213 : vector<16xi32>
      %gather3A_215 = tpu.vector_load_idx %arg9[%add3A_214, %mul3A_197] : memref<64x128xf32, #tpu.memory_space<vmem>>[vector<16xi32>, vector<16xi32>], vector<16xf32>,
      tpu.vector_store_idx %arg6[%add3A_214, %mul3A_203], %gather3A_215 : memref<64x512xf32, #tpu.memory_space<vmem>>[vector<16xi32>, vector<16xi32>], vector<16xf32>,
      %add3A_216 = arith.constant 48 : i32
      %add3A_217 = vector.broadcast %add3A_216 : i32 to vector<16xi32>
      %add3A_218 = arith.addi %iota3A, %add3A_217 : vector<16xi32>
      %gather3A_219 = tpu.vector_load_idx %arg9[%add3A_218, %mul3A_197] : memref<64x128xf32, #tpu.memory_space<vmem>>[vector<16xi32>, vector<16xi32>], vector<16xf32>,
      tpu.vector_store_idx %arg6[%add3A_218, %mul3A_203], %gather3A_219 : memref<64x512xf32, #tpu.memory_space<vmem>>[vector<16xi32>, vector<16xi32>], vector<16xf32>,
      %slice3A_220 = vector.extract_strided_slice %shift_right_logical3A_14 {offsets = [12], sizes = [1], strides = [1]} : vector<16xi32> to vector<1xi32>
      %squeeze3A_221 = vector.extract %slice3A_220[0] : i32 from vector<1xi32>
      %mul3A_222 = arith.constant 128 : i32
      %mul3A_223 = arith.muli %squeeze3A_221, %mul3A_222 : i32
      %multiple_of3A_224 = tpu.assume_multiple %mul3A_223, 128 : i32
      %dma_start3A_225 = arith.constant 0 : i32
      %dma_start3A_226 = tpu.memref_slice %arg2[%dma_start3A_225, %multiple_of3A_224] : memref<64x1000000xf32, #tpu.memory_space<hbm>> -> memref<64x128xf32, #tpu.memory_space<hbm>>
      %dma_start3A_227 = arith.constant 0 : i32
      %dma_start3A_228 = tpu.memref_slice %arg2[%dma_start3A_227, %multiple_of3A_224] : memref<64x1000000xf32, #tpu.memory_space<hbm>> -> memref<64x128xf32, #tpu.memory_space<hbm>>
      tpu.enqueue_dma source(%dma_start3A_228 : memref<64x128xf32, #tpu.memory_space<hbm>>) target(%arg9 : memref<64x128xf32, #tpu.memory_space<vmem>>) target_semaphore(%arg19 : memref<!tpu.dma_semaphore, #tpu.memory_space<semaphore_mem>>)
      %dma_wait3A_229 = arith.constant 0 : i32
      %dma_wait3A_230 = arith.constant 0 : i32
      %dma_wait3A_231 = tpu.memref_slice %arg2[%dma_wait3A_229, %dma_wait3A_230] : memref<64x1000000xf32, #tpu.memory_space<hbm>> -> memref<64x128xf32, #tpu.memory_space<hbm>>
      %dma_wait3A_232 = arith.constant 0 : i32
      %dma_wait3A_233 = arith.constant 0 : i32
      %dma_wait3A_234 = tpu.memref_slice %arg2[%dma_wait3A_232, %dma_wait3A_233] : memref<64x1000000xf32, #tpu.memory_space<hbm>> -> memref<64x128xf32, #tpu.memory_space<hbm>>
      tpu.wait_dma2 semaphore(%arg20 : memref<!tpu.dma_semaphore, #tpu.memory_space<semaphore_mem>>) src(%dma_wait3A_234 : memref<64x128xf32, #tpu.memory_space<hbm>>) dst(%arg10 : memref<64x128xf32, #tpu.memory_space<vmem>>)
      %broadcast_in_dim3A_235 = arith.constant 1 : i32
      %broadcast_in_dim3A_236 = vector.broadcast %broadcast_in_dim3A_235 : i32 to vector<16xi32>
      %slice3A_237 = vector.extract_strided_slice %and3A {offsets = [3], sizes = [1], strides = [1]} : vector<16xi32> to vector<1xi32>
      %squeeze3A_238 = vector.extract %slice3A_237[0] : i32 from vector<1xi32>
      %mul3A_239 = vector.broadcast %squeeze3A_238 : i32 to vector<16xi32>
      %mul3A_240 = arith.muli %broadcast_in_dim3A_236, %mul3A_239 : vector<16xi32>
      %broadcast_in_dim3A_241 = arith.constant 1 : i32
      %broadcast_in_dim3A_242 = vector.broadcast %broadcast_in_dim3A_241 : i32 to vector<16xi32>
      %add3A_243 = arith.constant 3 : i32
      %add3A_244 = arith.addi %add3A_11, %add3A_243 : i32
      %mul3A_245 = vector.broadcast %add3A_244 : i32 to vector<16xi32>
      %mul3A_246 = arith.muli %broadcast_in_dim3A_242, %mul3A_245 : vector<16xi32>
      %add3A_247 = arith.constant 0 : i32
      %add3A_248 = vector.broadcast %add3A_247 : i32 to vector<16xi32>
      %add3A_249 = arith.addi %iota3A, %add3A_248 : vector<16xi32>
      %gather3A_250 = tpu.vector_load_idx %arg10[%add3A_249, %mul3A_240] : memref<64x128xf32, #tpu.memory_space<vmem>>[vector<16xi32>, vector<16xi32>], vector<16xf32>,
      tpu.vector_store_idx %arg6[%add3A_249, %mul3A_246], %gather3A_250 : memref<64x512xf32, #tpu.memory_space<vmem>>[vector<16xi32>, vector<16xi32>], vector<16xf32>,
      %add3A_251 = arith.constant 16 : i32
      %add3A_252 = vector.broadcast %add3A_251 : i32 to vector<16xi32>
      %add3A_253 = arith.addi %iota3A, %add3A_252 : vector<16xi32>
      %gather3A_254 = tpu.vector_load_idx %arg10[%add3A_253, %mul3A_240] : memref<64x128xf32, #tpu.memory_space<vmem>>[vector<16xi32>, vector<16xi32>], vector<16xf32>,
      tpu.vector_store_idx %arg6[%add3A_253, %mul3A_246], %gather3A_254 : memref<64x512xf32, #tpu.memory_space<vmem>>[vector<16xi32>, vector<16xi32>], vector<16xf32>,
      %add3A_255 = arith.constant 32 : i32
      %add3A_256 = vector.broadcast %add3A_255 : i32 to vector<16xi32>
      %add3A_257 = arith.addi %iota3A, %add3A_256 : vector<16xi32>
      %gather3A_258 = tpu.vector_load_idx %arg10[%add3A_257, %mul3A_240] : memref<64x128xf32, #tpu.memory_space<vmem>>[vector<16xi32>, vector<16xi32>], vector<16xf32>,
      tpu.vector_store_idx %arg6[%add3A_257, %mul3A_246], %gather3A_258 : memref<64x512xf32, #tpu.memory_space<vmem>>[vector<16xi32>, vector<16xi32>], vector<16xf32>,
      %add3A_259 = arith.constant 48 : i32
      %add3A_260 = vector.broadcast %add3A_259 : i32 to vector<16xi32>
      %add3A_261 = arith.addi %iota3A, %add3A_260 : vector<16xi32>
      %gather3A_262 = tpu.vector_load_idx %arg10[%add3A_261, %mul3A_240] : memref<64x128xf32, #tpu.memory_space<vmem>>[vector<16xi32>, vector<16xi32>], vector<16xf32>,
      tpu.vector_store_idx %arg6[%add3A_261, %mul3A_246], %gather3A_262 : memref<64x512xf32, #tpu.memory_space<vmem>>[vector<16xi32>, vector<16xi32>], vector<16xf32>,
      %slice3A_263 = vector.extract_strided_slice %shift_right_logical3A_14 {offsets = [13], sizes = [1], strides = [1]} : vector<16xi32> to vector<1xi32>
      %squeeze3A_264 = vector.extract %slice3A_263[0] : i32 from vector<1xi32>
      %mul3A_265 = arith.constant 128 : i32
      %mul3A_266 = arith.muli %squeeze3A_264, %mul3A_265 : i32
      %multiple_of3A_267 = tpu.assume_multiple %mul3A_266, 128 : i32
      %dma_start3A_268 = arith.constant 0 : i32
      %dma_start3A_269 = tpu.memref_slice %arg2[%dma_start3A_268, %multiple_of3A_267] : memref<64x1000000xf32, #tpu.memory_space<hbm>> -> memref<64x128xf32, #tpu.memory_space<hbm>>
      %dma_start3A_270 = arith.constant 0 : i32
      %dma_start3A_271 = tpu.memref_slice %arg2[%dma_start3A_270, %multiple_of3A_267] : memref<64x1000000xf32, #tpu.memory_space<hbm>> -> memref<64x128xf32, #tpu.memory_space<hbm>>
      tpu.enqueue_dma source(%dma_start3A_271 : memref<64x128xf32, #tpu.memory_space<hbm>>) target(%arg10 : memref<64x128xf32, #tpu.memory_space<vmem>>) target_semaphore(%arg20 : memref<!tpu.dma_semaphore, #tpu.memory_space<semaphore_mem>>)
      %dma_wait3A_272 = arith.constant 0 : i32
      %dma_wait3A_273 = arith.constant 0 : i32
      %dma_wait3A_274 = tpu.memref_slice %arg2[%dma_wait3A_272, %dma_wait3A_273] : memref<64x1000000xf32, #tpu.memory_space<hbm>> -> memref<64x128xf32, #tpu.memory_space<hbm>>
      %dma_wait3A_275 = arith.constant 0 : i32
      %dma_wait3A_276 = arith.constant 0 : i32
      %dma_wait3A_277 = tpu.memref_slice %arg2[%dma_wait3A_275, %dma_wait3A_276] : memref<64x1000000xf32, #tpu.memory_space<hbm>> -> memref<64x128xf32, #tpu.memory_space<hbm>>
      tpu.wait_dma2 semaphore(%arg21 : memref<!tpu.dma_semaphore, #tpu.memory_space<semaphore_mem>>) src(%dma_wait3A_277 : memref<64x128xf32, #tpu.memory_space<hbm>>) dst(%arg11 : memref<64x128xf32, #tpu.memory_space<vmem>>)
      %broadcast_in_dim3A_278 = arith.constant 1 : i32
      %broadcast_in_dim3A_279 = vector.broadcast %broadcast_in_dim3A_278 : i32 to vector<16xi32>
      %slice3A_280 = vector.extract_strided_slice %and3A {offsets = [4], sizes = [1], strides = [1]} : vector<16xi32> to vector<1xi32>
      %squeeze3A_281 = vector.extract %slice3A_280[0] : i32 from vector<1xi32>
      %mul3A_282 = vector.broadcast %squeeze3A_281 : i32 to vector<16xi32>
      %mul3A_283 = arith.muli %broadcast_in_dim3A_279, %mul3A_282 : vector<16xi32>
      %broadcast_in_dim3A_284 = arith.constant 1 : i32
      %broadcast_in_dim3A_285 = vector.broadcast %broadcast_in_dim3A_284 : i32 to vector<16xi32>
      %add3A_286 = arith.constant 4 : i32
      %add3A_287 = arith.addi %add3A_11, %add3A_286 : i32
      %mul3A_288 = vector.broadcast %add3A_287 : i32 to vector<16xi32>
      %mul3A_289 = arith.muli %broadcast_in_dim3A_285, %mul3A_288 : vector<16xi32>
      %add3A_290 = arith.constant 0 : i32
      %add3A_291 = vector.broadcast %add3A_290 : i32 to vector<16xi32>
      %add3A_292 = arith.addi %iota3A, %add3A_291 : vector<16xi32>
      %gather3A_293 = tpu.vector_load_idx %arg11[%add3A_292, %mul3A_283] : memref<64x128xf32, #tpu.memory_space<vmem>>[vector<16xi32>, vector<16xi32>], vector<16xf32>,
      tpu.vector_store_idx %arg6[%add3A_292, %mul3A_289], %gather3A_293 : memref<64x512xf32, #tpu.memory_space<vmem>>[vector<16xi32>, vector<16xi32>], vector<16xf32>,
      %add3A_294 = arith.constant 16 : i32
      %add3A_295 = vector.broadcast %add3A_294 : i32 to vector<16xi32>
      %add3A_296 = arith.addi %iota3A, %add3A_295 : vector<16xi32>
      %gather3A_297 = tpu.vector_load_idx %arg11[%add3A_296, %mul3A_283] : memref<64x128xf32, #tpu.memory_space<vmem>>[vector<16xi32>, vector<16xi32>], vector<16xf32>,
      tpu.vector_store_idx %arg6[%add3A_296, %mul3A_289], %gather3A_297 : memref<64x512xf32, #tpu.memory_space<vmem>>[vector<16xi32>, vector<16xi32>], vector<16xf32>,
      %add3A_298 = arith.constant 32 : i32
      %add3A_299 = vector.broadcast %add3A_298 : i32 to vector<16xi32>
      %add3A_300 = arith.addi %iota3A, %add3A_299 : vector<16xi32>
      %gather3A_301 = tpu.vector_load_idx %arg11[%add3A_300, %mul3A_283] : memref<64x128xf32, #tpu.memory_space<vmem>>[vector<16xi32>, vector<16xi32>], vector<16xf32>,
      tpu.vector_store_idx %arg6[%add3A_300, %mul3A_289], %gather3A_301 : memref<64x512xf32, #tpu.memory_space<vmem>>[vector<16xi32>, vector<16xi32>], vector<16xf32>,
      %add3A_302 = arith.constant 48 : i32
      %add3A_303 = vector.broadcast %add3A_302 : i32 to vector<16xi32>
      %add3A_304 = arith.addi %iota3A, %add3A_303 : vector<16xi32>
      %gather3A_305 = tpu.vector_load_idx %arg11[%add3A_304, %mul3A_283] : memref<64x128xf32, #tpu.memory_space<vmem>>[vector<16xi32>, vector<16xi32>], vector<16xf32>,
      tpu.vector_store_idx %arg6[%add3A_304, %mul3A_289], %gather3A_305 : memref<64x512xf32, #tpu.memory_space<vmem>>[vector<16xi32>, vector<16xi32>], vector<16xf32>,
      %slice3A_306 = vector.extract_strided_slice %shift_right_logical3A_14 {offsets = [14], sizes = [1], strides = [1]} : vector<16xi32> to vector<1xi32>
      %squeeze3A_307 = vector.extract %slice3A_306[0] : i32 from vector<1xi32>
      %mul3A_308 = arith.constant 128 : i32
      %mul3A_309 = arith.muli %squeeze3A_307, %mul3A_308 : i32
      %multiple_of3A_310 = tpu.assume_multiple %mul3A_309, 128 : i32
      %dma_start3A_311 = arith.constant 0 : i32
      %dma_start3A_312 = tpu.memref_slice %arg2[%dma_start3A_311, %multiple_of3A_310] : memref<64x1000000xf32, #tpu.memory_space<hbm>> -> memref<64x128xf32, #tpu.memory_space<hbm>>
      %dma_start3A_313 = arith.constant 0 : i32
      %dma_start3A_314 = tpu.memref_slice %arg2[%dma_start3A_313, %multiple_of3A_310] : memref<64x1000000xf32, #tpu.memory_space<hbm>> -> memref<64x128xf32, #tpu.memory_space<hbm>>
      tpu.enqueue_dma source(%dma_start3A_314 : memref<64x128xf32, #tpu.memory_space<hbm>>) target(%arg11 : memref<64x128xf32, #tpu.memory_space<vmem>>) target_semaphore(%arg21 : memref<!tpu.dma_semaphore, #tpu.memory_space<semaphore_mem>>)
      %dma_wait3A_315 = arith.constant 0 : i32
      %dma_wait3A_316 = arith.constant 0 : i32
      %dma_wait3A_317 = tpu.memref_slice %arg2[%dma_wait3A_315, %dma_wait3A_316] : memref<64x1000000xf32, #tpu.memory_space<hbm>> -> memref<64x128xf32, #tpu.memory_space<hbm>>
      %dma_wait3A_318 = arith.constant 0 : i32
      %dma_wait3A_319 = arith.constant 0 : i32
      %dma_wait3A_320 = tpu.memref_slice %arg2[%dma_wait3A_318, %dma_wait3A_319] : memref<64x1000000xf32, #tpu.memory_space<hbm>> -> memref<64x128xf32, #tpu.memory_space<hbm>>
      tpu.wait_dma2 semaphore(%arg22 : memref<!tpu.dma_semaphore, #tpu.memory_space<semaphore_mem>>) src(%dma_wait3A_320 : memref<64x128xf32, #tpu.memory_space<hbm>>) dst(%arg12 : memref<64x128xf32, #tpu.memory_space<vmem>>)
      %broadcast_in_dim3A_321 = arith.constant 1 : i32
      %broadcast_in_dim3A_322 = vector.broadcast %broadcast_in_dim3A_321 : i32 to vector<16xi32>
      %slice3A_323 = vector.extract_strided_slice %and3A {offsets = [5], sizes = [1], strides = [1]} : vector<16xi32> to vector<1xi32>
      %squeeze3A_324 = vector.extract %slice3A_323[0] : i32 from vector<1xi32>
      %mul3A_325 = vector.broadcast %squeeze3A_324 : i32 to vector<16xi32>
      %mul3A_326 = arith.muli %broadcast_in_dim3A_322, %mul3A_325 : vector<16xi32>
      %broadcast_in_dim3A_327 = arith.constant 1 : i32
      %broadcast_in_dim3A_328 = vector.broadcast %broadcast_in_dim3A_327 : i32 to vector<16xi32>
      %add3A_329 = arith.constant 5 : i32
      %add3A_330 = arith.addi %add3A_11, %add3A_329 : i32
      %mul3A_331 = vector.broadcast %add3A_330 : i32 to vector<16xi32>
      %mul3A_332 = arith.muli %broadcast_in_dim3A_328, %mul3A_331 : vector<16xi32>
      %add3A_333 = arith.constant 0 : i32
      %add3A_334 = vector.broadcast %add3A_333 : i32 to vector<16xi32>
      %add3A_335 = arith.addi %iota3A, %add3A_334 : vector<16xi32>
      %gather3A_336 = tpu.vector_load_idx %arg12[%add3A_335, %mul3A_326] : memref<64x128xf32, #tpu.memory_space<vmem>>[vector<16xi32>, vector<16xi32>], vector<16xf32>,
      tpu.vector_store_idx %arg6[%add3A_335, %mul3A_332], %gather3A_336 : memref<64x512xf32, #tpu.memory_space<vmem>>[vector<16xi32>, vector<16xi32>], vector<16xf32>,
      %add3A_337 = arith.constant 16 : i32
      %add3A_338 = vector.broadcast %add3A_337 : i32 to vector<16xi32>
      %add3A_339 = arith.addi %iota3A, %add3A_338 : vector<16xi32>
      %gather3A_340 = tpu.vector_load_idx %arg12[%add3A_339, %mul3A_326] : memref<64x128xf32, #tpu.memory_space<vmem>>[vector<16xi32>, vector<16xi32>], vector<16xf32>,
      tpu.vector_store_idx %arg6[%add3A_339, %mul3A_332], %gather3A_340 : memref<64x512xf32, #tpu.memory_space<vmem>>[vector<16xi32>, vector<16xi32>], vector<16xf32>,
      %add3A_341 = arith.constant 32 : i32
      %add3A_342 = vector.broadcast %add3A_341 : i32 to vector<16xi32>
      %add3A_343 = arith.addi %iota3A, %add3A_342 : vector<16xi32>
      %gather3A_344 = tpu.vector_load_idx %arg12[%add3A_343, %mul3A_326] : memref<64x128xf32, #tpu.memory_space<vmem>>[vector<16xi32>, vector<16xi32>], vector<16xf32>,
      tpu.vector_store_idx %arg6[%add3A_343, %mul3A_332], %gather3A_344 : memref<64x512xf32, #tpu.memory_space<vmem>>[vector<16xi32>, vector<16xi32>], vector<16xf32>,
      %add3A_345 = arith.constant 48 : i32
      %add3A_346 = vector.broadcast %add3A_345 : i32 to vector<16xi32>
      %add3A_347 = arith.addi %iota3A, %add3A_346 : vector<16xi32>
      %gather3A_348 = tpu.vector_load_idx %arg12[%add3A_347, %mul3A_326] : memref<64x128xf32, #tpu.memory_space<vmem>>[vector<16xi32>, vector<16xi32>], vector<16xf32>,
      tpu.vector_store_idx %arg6[%add3A_347, %mul3A_332], %gather3A_348 : memref<64x512xf32, #tpu.memory_space<vmem>>[vector<16xi32>, vector<16xi32>], vector<16xf32>,
      %slice3A_349 = vector.extract_strided_slice %shift_right_logical3A_14 {offsets = [15], sizes = [1], strides = [1]} : vector<16xi32> to vector<1xi32>
      %squeeze3A_350 = vector.extract %slice3A_349[0] : i32 from vector<1xi32>
      %mul3A_351 = arith.constant 128 : i32
      %mul3A_352 = arith.muli %squeeze3A_350, %mul3A_351 : i32
      %multiple_of3A_353 = tpu.assume_multiple %mul3A_352, 128 : i32
      %dma_start3A_354 = arith.constant 0 : i32
      %dma_start3A_355 = tpu.memref_slice %arg2[%dma_start3A_354, %multiple_of3A_353] : memref<64x1000000xf32, #tpu.memory_space<hbm>> -> memref<64x128xf32, #tpu.memory_space<hbm>>
      %dma_start3A_356 = arith.constant 0 : i32
      %dma_start3A_357 = tpu.memref_slice %arg2[%dma_start3A_356, %multiple_of3A_353] : memref<64x1000000xf32, #tpu.memory_space<hbm>> -> memref<64x128xf32, #tpu.memory_space<hbm>>
      tpu.enqueue_dma source(%dma_start3A_357 : memref<64x128xf32, #tpu.memory_space<hbm>>) target(%arg12 : memref<64x128xf32, #tpu.memory_space<vmem>>) target_semaphore(%arg22 : memref<!tpu.dma_semaphore, #tpu.memory_space<semaphore_mem>>)
      %dma_wait3A_358 = arith.constant 0 : i32
      %dma_wait3A_359 = arith.constant 0 : i32
      %dma_wait3A_360 = tpu.memref_slice %arg2[%dma_wait3A_358, %dma_wait3A_359] : memref<64x1000000xf32, #tpu.memory_space<hbm>> -> memref<64x128xf32, #tpu.memory_space<hbm>>
      %dma_wait3A_361 = arith.constant 0 : i32
      %dma_wait3A_362 = arith.constant 0 : i32
      %dma_wait3A_363 = tpu.memref_slice %arg2[%dma_wait3A_361, %dma_wait3A_362] : memref<64x1000000xf32, #tpu.memory_space<hbm>> -> memref<64x128xf32, #tpu.memory_space<hbm>>
      tpu.wait_dma2 semaphore(%arg23 : memref<!tpu.dma_semaphore, #tpu.memory_space<semaphore_mem>>) src(%dma_wait3A_363 : memref<64x128xf32, #tpu.memory_space<hbm>>) dst(%arg13 : memref<64x128xf32, #tpu.memory_space<vmem>>)
      %broadcast_in_dim3A_364 = arith.constant 1 : i32
      %broadcast_in_dim3A_365 = vector.broadcast %broadcast_in_dim3A_364 : i32 to vector<16xi32>
      %slice3A_366 = vector.extract_strided_slice %and3A {offsets = [6], sizes = [1], strides = [1]} : vector<16xi32> to vector<1xi32>
      %squeeze3A_367 = vector.extract %slice3A_366[0] : i32 from vector<1xi32>
      %mul3A_368 = vector.broadcast %squeeze3A_367 : i32 to vector<16xi32>
      %mul3A_369 = arith.muli %broadcast_in_dim3A_365, %mul3A_368 : vector<16xi32>
      %broadcast_in_dim3A_370 = arith.constant 1 : i32
      %broadcast_in_dim3A_371 = vector.broadcast %broadcast_in_dim3A_370 : i32 to vector<16xi32>
      %add3A_372 = arith.constant 6 : i32
      %add3A_373 = arith.addi %add3A_11, %add3A_372 : i32
      %mul3A_374 = vector.broadcast %add3A_373 : i32 to vector<16xi32>
      %mul3A_375 = arith.muli %broadcast_in_dim3A_371, %mul3A_374 : vector<16xi32>
      %add3A_376 = arith.constant 0 : i32
      %add3A_377 = vector.broadcast %add3A_376 : i32 to vector<16xi32>
      %add3A_378 = arith.addi %iota3A, %add3A_377 : vector<16xi32>
      %gather3A_379 = tpu.vector_load_idx %arg13[%add3A_378, %mul3A_369] : memref<64x128xf32, #tpu.memory_space<vmem>>[vector<16xi32>, vector<16xi32>], vector<16xf32>,
      tpu.vector_store_idx %arg6[%add3A_378, %mul3A_375], %gather3A_379 : memref<64x512xf32, #tpu.memory_space<vmem>>[vector<16xi32>, vector<16xi32>], vector<16xf32>,
      %add3A_380 = arith.constant 16 : i32
      %add3A_381 = vector.broadcast %add3A_380 : i32 to vector<16xi32>
      %add3A_382 = arith.addi %iota3A, %add3A_381 : vector<16xi32>
      %gather3A_383 = tpu.vector_load_idx %arg13[%add3A_382, %mul3A_369] : memref<64x128xf32, #tpu.memory_space<vmem>>[vector<16xi32>, vector<16xi32>], vector<16xf32>,
      tpu.vector_store_idx %arg6[%add3A_382, %mul3A_375], %gather3A_383 : memref<64x512xf32, #tpu.memory_space<vmem>>[vector<16xi32>, vector<16xi32>], vector<16xf32>,
      %add3A_384 = arith.constant 32 : i32
      %add3A_385 = vector.broadcast %add3A_384 : i32 to vector<16xi32>
      %add3A_386 = arith.addi %iota3A, %add3A_385 : vector<16xi32>
      %gather3A_387 = tpu.vector_load_idx %arg13[%add3A_386, %mul3A_369] : memref<64x128xf32, #tpu.memory_space<vmem>>[vector<16xi32>, vector<16xi32>], vector<16xf32>,
      tpu.vector_store_idx %arg6[%add3A_386, %mul3A_375], %gather3A_387 : memref<64x512xf32, #tpu.memory_space<vmem>>[vector<16xi32>, vector<16xi32>], vector<16xf32>,
      %add3A_388 = arith.constant 48 : i32
      %add3A_389 = vector.broadcast %add3A_388 : i32 to vector<16xi32>
      %add3A_390 = arith.addi %iota3A, %add3A_389 : vector<16xi32>
      %gather3A_391 = tpu.vector_load_idx %arg13[%add3A_390, %mul3A_369] : memref<64x128xf32, #tpu.memory_space<vmem>>[vector<16xi32>, vector<16xi32>], vector<16xf32>,
      tpu.vector_store_idx %arg6[%add3A_390, %mul3A_375], %gather3A_391 : memref<64x512xf32, #tpu.memory_space<vmem>>[vector<16xi32>, vector<16xi32>], vector<16xf32>,
      %dma_wait3A_392 = arith.constant 0 : i32
      %dma_wait3A_393 = arith.constant 0 : i32
      %dma_wait3A_394 = tpu.memref_slice %arg2[%dma_wait3A_392, %dma_wait3A_393] : memref<64x1000000xf32, #tpu.memory_space<hbm>> -> memref<64x128xf32, #tpu.memory_space<hbm>>
      %dma_wait3A_395 = arith.constant 0 : i32
      %dma_wait3A_396 = arith.constant 0 : i32
      %dma_wait3A_397 = tpu.memref_slice %arg2[%dma_wait3A_395, %dma_wait3A_396] : memref<64x1000000xf32, #tpu.memory_space<hbm>> -> memref<64x128xf32, #tpu.memory_space<hbm>>
      tpu.wait_dma2 semaphore(%arg24 : memref<!tpu.dma_semaphore, #tpu.memory_space<semaphore_mem>>) src(%dma_wait3A_397 : memref<64x128xf32, #tpu.memory_space<hbm>>) dst(%arg14 : memref<64x128xf32, #tpu.memory_space<vmem>>)
      %broadcast_in_dim3A_398 = arith.constant 1 : i32
      %broadcast_in_dim3A_399 = vector.broadcast %broadcast_in_dim3A_398 : i32 to vector<16xi32>
      %slice3A_400 = vector.extract_strided_slice %and3A {offsets = [7], sizes = [1], strides = [1]} : vector<16xi32> to vector<1xi32>
      %squeeze3A_401 = vector.extract %slice3A_400[0] : i32 from vector<1xi32>
      %mul3A_402 = vector.broadcast %squeeze3A_401 : i32 to vector<16xi32>
      %mul3A_403 = arith.muli %broadcast_in_dim3A_399, %mul3A_402 : vector<16xi32>
      %broadcast_in_dim3A_404 = arith.constant 1 : i32
      %broadcast_in_dim3A_405 = vector.broadcast %broadcast_in_dim3A_404 : i32 to vector<16xi32>
      %add3A_406 = arith.constant 7 : i32
      %add3A_407 = arith.addi %add3A_11, %add3A_406 : i32
      %mul3A_408 = vector.broadcast %add3A_407 : i32 to vector<16xi32>
      %mul3A_409 = arith.muli %broadcast_in_dim3A_405, %mul3A_408 : vector<16xi32>
      %add3A_410 = arith.constant 0 : i32
      %add3A_411 = vector.broadcast %add3A_410 : i32 to vector<16xi32>
      %add3A_412 = arith.addi %iota3A, %add3A_411 : vector<16xi32>
      %gather3A_413 = tpu.vector_load_idx %arg14[%add3A_412, %mul3A_403] : memref<64x128xf32, #tpu.memory_space<vmem>>[vector<16xi32>, vector<16xi32>], vector<16xf32>,
      tpu.vector_store_idx %arg6[%add3A_412, %mul3A_409], %gather3A_413 : memref<64x512xf32, #tpu.memory_space<vmem>>[vector<16xi32>, vector<16xi32>], vector<16xf32>,
      %add3A_414 = arith.constant 16 : i32
      %add3A_415 = vector.broadcast %add3A_414 : i32 to vector<16xi32>
      %add3A_416 = arith.addi %iota3A, %add3A_415 : vector<16xi32>
      %gather3A_417 = tpu.vector_load_idx %arg14[%add3A_416, %mul3A_403] : memref<64x128xf32, #tpu.memory_space<vmem>>[vector<16xi32>, vector<16xi32>], vector<16xf32>,
      tpu.vector_store_idx %arg6[%add3A_416, %mul3A_409], %gather3A_417 : memref<64x512xf32, #tpu.memory_space<vmem>>[vector<16xi32>, vector<16xi32>], vector<16xf32>,
      %add3A_418 = arith.constant 32 : i32
      %add3A_419 = vector.broadcast %add3A_418 : i32 to vector<16xi32>
      %add3A_420 = arith.addi %iota3A, %add3A_419 : vector<16xi32>
      %gather3A_421 = tpu.vector_load_idx %arg14[%add3A_420, %mul3A_403] : memref<64x128xf32, #tpu.memory_space<vmem>>[vector<16xi32>, vector<16xi32>], vector<16xf32>,
      tpu.vector_store_idx %arg6[%add3A_420, %mul3A_409], %gather3A_421 : memref<64x512xf32, #tpu.memory_space<vmem>>[vector<16xi32>, vector<16xi32>], vector<16xf32>,
      %add3A_422 = arith.constant 48 : i32
      %add3A_423 = vector.broadcast %add3A_422 : i32 to vector<16xi32>
      %add3A_424 = arith.addi %iota3A, %add3A_423 : vector<16xi32>
      %gather3A_425 = tpu.vector_load_idx %arg14[%add3A_424, %mul3A_403] : memref<64x128xf32, #tpu.memory_space<vmem>>[vector<16xi32>, vector<16xi32>], vector<16xf32>,
      tpu.vector_store_idx %arg6[%add3A_424, %mul3A_409], %gather3A_425 : memref<64x512xf32, #tpu.memory_space<vmem>>[vector<16xi32>, vector<16xi32>], vector<16xf32>,
      %dma_wait3A_426 = arith.constant 0 : i32
      %dma_wait3A_427 = arith.constant 0 : i32
      %dma_wait3A_428 = tpu.memref_slice %arg2[%dma_wait3A_426, %dma_wait3A_427] : memref<64x1000000xf32, #tpu.memory_space<hbm>> -> memref<64x128xf32, #tpu.memory_space<hbm>>
      %dma_wait3A_429 = arith.constant 0 : i32
      %dma_wait3A_430 = arith.constant 0 : i32
      %dma_wait3A_431 = tpu.memref_slice %arg2[%dma_wait3A_429, %dma_wait3A_430] : memref<64x1000000xf32, #tpu.memory_space<hbm>> -> memref<64x128xf32, #tpu.memory_space<hbm>>
      tpu.wait_dma2 semaphore(%arg25 : memref<!tpu.dma_semaphore, #tpu.memory_space<semaphore_mem>>) src(%dma_wait3A_431 : memref<64x128xf32, #tpu.memory_space<hbm>>) dst(%arg15 : memref<64x128xf32, #tpu.memory_space<vmem>>)
      %broadcast_in_dim3A_432 = arith.constant 1 : i32
      %broadcast_in_dim3A_433 = vector.broadcast %broadcast_in_dim3A_432 : i32 to vector<16xi32>
      %slice3A_434 = vector.extract_strided_slice %and3A {offsets = [8], sizes = [1], strides = [1]} : vector<16xi32> to vector<1xi32>
      %squeeze3A_435 = vector.extract %slice3A_434[0] : i32 from vector<1xi32>
      %mul3A_436 = vector.broadcast %squeeze3A_435 : i32 to vector<16xi32>
      %mul3A_437 = arith.muli %broadcast_in_dim3A_433, %mul3A_436 : vector<16xi32>
      %broadcast_in_dim3A_438 = arith.constant 1 : i32
      %broadcast_in_dim3A_439 = vector.broadcast %broadcast_in_dim3A_438 : i32 to vector<16xi32>
      %add3A_440 = arith.constant 8 : i32
      %add3A_441 = arith.addi %add3A_11, %add3A_440 : i32
      %mul3A_442 = vector.broadcast %add3A_441 : i32 to vector<16xi32>
      %mul3A_443 = arith.muli %broadcast_in_dim3A_439, %mul3A_442 : vector<16xi32>
      %add3A_444 = arith.constant 0 : i32
      %add3A_445 = vector.broadcast %add3A_444 : i32 to vector<16xi32>
      %add3A_446 = arith.addi %iota3A, %add3A_445 : vector<16xi32>
      %gather3A_447 = tpu.vector_load_idx %arg15[%add3A_446, %mul3A_437] : memref<64x128xf32, #tpu.memory_space<vmem>>[vector<16xi32>, vector<16xi32>], vector<16xf32>,
      tpu.vector_store_idx %arg6[%add3A_446, %mul3A_443], %gather3A_447 : memref<64x512xf32, #tpu.memory_space<vmem>>[vector<16xi32>, vector<16xi32>], vector<16xf32>,
      %add3A_448 = arith.constant 16 : i32
      %add3A_449 = vector.broadcast %add3A_448 : i32 to vector<16xi32>
      %add3A_450 = arith.addi %iota3A, %add3A_449 : vector<16xi32>
      %gather3A_451 = tpu.vector_load_idx %arg15[%add3A_450, %mul3A_437] : memref<64x128xf32, #tpu.memory_space<vmem>>[vector<16xi32>, vector<16xi32>], vector<16xf32>,
      tpu.vector_store_idx %arg6[%add3A_450, %mul3A_443], %gather3A_451 : memref<64x512xf32, #tpu.memory_space<vmem>>[vector<16xi32>, vector<16xi32>], vector<16xf32>,
      %add3A_452 = arith.constant 32 : i32
      %add3A_453 = vector.broadcast %add3A_452 : i32 to vector<16xi32>
      %add3A_454 = arith.addi %iota3A, %add3A_453 : vector<16xi32>
      %gather3A_455 = tpu.vector_load_idx %arg15[%add3A_454, %mul3A_437] : memref<64x128xf32, #tpu.memory_space<vmem>>[vector<16xi32>, vector<16xi32>], vector<16xf32>,
      tpu.vector_store_idx %arg6[%add3A_454, %mul3A_443], %gather3A_455 : memref<64x512xf32, #tpu.memory_space<vmem>>[vector<16xi32>, vector<16xi32>], vector<16xf32>,
      %add3A_456 = arith.constant 48 : i32
      %add3A_457 = vector.broadcast %add3A_456 : i32 to vector<16xi32>
      %add3A_458 = arith.addi %iota3A, %add3A_457 : vector<16xi32>
      %gather3A_459 = tpu.vector_load_idx %arg15[%add3A_458, %mul3A_437] : memref<64x128xf32, #tpu.memory_space<vmem>>[vector<16xi32>, vector<16xi32>], vector<16xf32>,
      tpu.vector_store_idx %arg6[%add3A_458, %mul3A_443], %gather3A_459 : memref<64x512xf32, #tpu.memory_space<vmem>>[vector<16xi32>, vector<16xi32>], vector<16xf32>,
      %dma_wait3A_460 = arith.constant 0 : i32
      %dma_wait3A_461 = arith.constant 0 : i32
      %dma_wait3A_462 = tpu.memref_slice %arg2[%dma_wait3A_460, %dma_wait3A_461] : memref<64x1000000xf32, #tpu.memory_space<hbm>> -> memref<64x128xf32, #tpu.memory_space<hbm>>
      %dma_wait3A_463 = arith.constant 0 : i32
      %dma_wait3A_464 = arith.constant 0 : i32
      %dma_wait3A_465 = tpu.memref_slice %arg2[%dma_wait3A_463, %dma_wait3A_464] : memref<64x1000000xf32, #tpu.memory_space<hbm>> -> memref<64x128xf32, #tpu.memory_space<hbm>>
      tpu.wait_dma2 semaphore(%arg26 : memref<!tpu.dma_semaphore, #tpu.memory_space<semaphore_mem>>) src(%dma_wait3A_465 : memref<64x128xf32, #tpu.memory_space<hbm>>) dst(%arg16 : memref<64x128xf32, #tpu.memory_space<vmem>>)
      %broadcast_in_dim3A_466 = arith.constant 1 : i32
      %broadcast_in_dim3A_467 = vector.broadcast %broadcast_in_dim3A_466 : i32 to vector<16xi32>
      %slice3A_468 = vector.extract_strided_slice %and3A {offsets = [9], sizes = [1], strides = [1]} : vector<16xi32> to vector<1xi32>
      %squeeze3A_469 = vector.extract %slice3A_468[0] : i32 from vector<1xi32>
      %mul3A_470 = vector.broadcast %squeeze3A_469 : i32 to vector<16xi32>
      %mul3A_471 = arith.muli %broadcast_in_dim3A_467, %mul3A_470 : vector<16xi32>
      %broadcast_in_dim3A_472 = arith.constant 1 : i32
      %broadcast_in_dim3A_473 = vector.broadcast %broadcast_in_dim3A_472 : i32 to vector<16xi32>
      %add3A_474 = arith.constant 9 : i32
      %add3A_475 = arith.addi %add3A_11, %add3A_474 : i32
      %mul3A_476 = vector.broadcast %add3A_475 : i32 to vector<16xi32>
      %mul3A_477 = arith.muli %broadcast_in_dim3A_473, %mul3A_476 : vector<16xi32>
      %add3A_478 = arith.constant 0 : i32
      %add3A_479 = vector.broadcast %add3A_478 : i32 to vector<16xi32>
      %add3A_480 = arith.addi %iota3A, %add3A_479 : vector<16xi32>
      %gather3A_481 = tpu.vector_load_idx %arg16[%add3A_480, %mul3A_471] : memref<64x128xf32, #tpu.memory_space<vmem>>[vector<16xi32>, vector<16xi32>], vector<16xf32>,
      tpu.vector_store_idx %arg6[%add3A_480, %mul3A_477], %gather3A_481 : memref<64x512xf32, #tpu.memory_space<vmem>>[vector<16xi32>, vector<16xi32>], vector<16xf32>,
      %add3A_482 = arith.constant 16 : i32
      %add3A_483 = vector.broadcast %add3A_482 : i32 to vector<16xi32>
      %add3A_484 = arith.addi %iota3A, %add3A_483 : vector<16xi32>
      %gather3A_485 = tpu.vector_load_idx %arg16[%add3A_484, %mul3A_471] : memref<64x128xf32, #tpu.memory_space<vmem>>[vector<16xi32>, vector<16xi32>], vector<16xf32>,
      tpu.vector_store_idx %arg6[%add3A_484, %mul3A_477], %gather3A_485 : memref<64x512xf32, #tpu.memory_space<vmem>>[vector<16xi32>, vector<16xi32>], vector<16xf32>,
      %add3A_486 = arith.constant 32 : i32
      %add3A_487 = vector.broadcast %add3A_486 : i32 to vector<16xi32>
      %add3A_488 = arith.addi %iota3A, %add3A_487 : vector<16xi32>
      %gather3A_489 = tpu.vector_load_idx %arg16[%add3A_488, %mul3A_471] : memref<64x128xf32, #tpu.memory_space<vmem>>[vector<16xi32>, vector<16xi32>], vector<16xf32>,
      tpu.vector_store_idx %arg6[%add3A_488, %mul3A_477], %gather3A_489 : memref<64x512xf32, #tpu.memory_space<vmem>>[vector<16xi32>, vector<16xi32>], vector<16xf32>,
      %add3A_490 = arith.constant 48 : i32
      %add3A_491 = vector.broadcast %add3A_490 : i32 to vector<16xi32>
      %add3A_492 = arith.addi %iota3A, %add3A_491 : vector<16xi32>
      %gather3A_493 = tpu.vector_load_idx %arg16[%add3A_492, %mul3A_471] : memref<64x128xf32, #tpu.memory_space<vmem>>[vector<16xi32>, vector<16xi32>], vector<16xf32>,
      tpu.vector_store_idx %arg6[%add3A_492, %mul3A_477], %gather3A_493 : memref<64x512xf32, #tpu.memory_space<vmem>>[vector<16xi32>, vector<16xi32>], vector<16xf32>,
      %dma_wait3A_494 = arith.constant 0 : i32
      %dma_wait3A_495 = arith.constant 0 : i32
      %dma_wait3A_496 = tpu.memref_slice %arg2[%dma_wait3A_494, %dma_wait3A_495] : memref<64x1000000xf32, #tpu.memory_space<hbm>> -> memref<64x128xf32, #tpu.memory_space<hbm>>
      %dma_wait3A_497 = arith.constant 0 : i32
      %dma_wait3A_498 = arith.constant 0 : i32
      %dma_wait3A_499 = tpu.memref_slice %arg2[%dma_wait3A_497, %dma_wait3A_498] : memref<64x1000000xf32, #tpu.memory_space<hbm>> -> memref<64x128xf32, #tpu.memory_space<hbm>>
      tpu.wait_dma2 semaphore(%arg17 : memref<!tpu.dma_semaphore, #tpu.memory_space<semaphore_mem>>) src(%dma_wait3A_499 : memref<64x128xf32, #tpu.memory_space<hbm>>) dst(%arg7 : memref<64x128xf32, #tpu.memory_space<vmem>>)
      %broadcast_in_dim3A_500 = arith.constant 1 : i32
      %broadcast_in_dim3A_501 = vector.broadcast %broadcast_in_dim3A_500 : i32 to vector<16xi32>
      %slice3A_502 = vector.extract_strided_slice %and3A {offsets = [10], sizes = [1], strides = [1]} : vector<16xi32> to vector<1xi32>
      %squeeze3A_503 = vector.extract %slice3A_502[0] : i32 from vector<1xi32>
      %mul3A_504 = vector.broadcast %squeeze3A_503 : i32 to vector<16xi32>
      %mul3A_505 = arith.muli %broadcast_in_dim3A_501, %mul3A_504 : vector<16xi32>
      %broadcast_in_dim3A_506 = arith.constant 1 : i32
      %broadcast_in_dim3A_507 = vector.broadcast %broadcast_in_dim3A_506 : i32 to vector<16xi32>
      %add3A_508 = arith.constant 10 : i32
      %add3A_509 = arith.addi %add3A_11, %add3A_508 : i32
      %mul3A_510 = vector.broadcast %add3A_509 : i32 to vector<16xi32>
      %mul3A_511 = arith.muli %broadcast_in_dim3A_507, %mul3A_510 : vector<16xi32>
      %add3A_512 = arith.constant 0 : i32
      %add3A_513 = vector.broadcast %add3A_512 : i32 to vector<16xi32>
      %add3A_514 = arith.addi %iota3A, %add3A_513 : vector<16xi32>
      %gather3A_515 = tpu.vector_load_idx %arg7[%add3A_514, %mul3A_505] : memref<64x128xf32, #tpu.memory_space<vmem>>[vector<16xi32>, vector<16xi32>], vector<16xf32>,
      tpu.vector_store_idx %arg6[%add3A_514, %mul3A_511], %gather3A_515 : memref<64x512xf32, #tpu.memory_space<vmem>>[vector<16xi32>, vector<16xi32>], vector<16xf32>,
      %add3A_516 = arith.constant 16 : i32
      %add3A_517 = vector.broadcast %add3A_516 : i32 to vector<16xi32>
      %add3A_518 = arith.addi %iota3A, %add3A_517 : vector<16xi32>
      %gather3A_519 = tpu.vector_load_idx %arg7[%add3A_518, %mul3A_505] : memref<64x128xf32, #tpu.memory_space<vmem>>[vector<16xi32>, vector<16xi32>], vector<16xf32>,
      tpu.vector_store_idx %arg6[%add3A_518, %mul3A_511], %gather3A_519 : memref<64x512xf32, #tpu.memory_space<vmem>>[vector<16xi32>, vector<16xi32>], vector<16xf32>,
      %add3A_520 = arith.constant 32 : i32
      %add3A_521 = vector.broadcast %add3A_520 : i32 to vector<16xi32>
      %add3A_522 = arith.addi %iota3A, %add3A_521 : vector<16xi32>
      %gather3A_523 = tpu.vector_load_idx %arg7[%add3A_522, %mul3A_505] : memref<64x128xf32, #tpu.memory_space<vmem>>[vector<16xi32>, vector<16xi32>], vector<16xf32>,
      tpu.vector_store_idx %arg6[%add3A_522, %mul3A_511], %gather3A_523 : memref<64x512xf32, #tpu.memory_space<vmem>>[vector<16xi32>, vector<16xi32>], vector<16xf32>,
      %add3A_524 = arith.constant 48 : i32
      %add3A_525 = vector.broadcast %add3A_524 : i32 to vector<16xi32>
      %add3A_526 = arith.addi %iota3A, %add3A_525 : vector<16xi32>
      %gather3A_527 = tpu.vector_load_idx %arg7[%add3A_526, %mul3A_505] : memref<64x128xf32, #tpu.memory_space<vmem>>[vector<16xi32>, vector<16xi32>], vector<16xf32>,
      tpu.vector_store_idx %arg6[%add3A_526, %mul3A_511], %gather3A_527 : memref<64x512xf32, #tpu.memory_space<vmem>>[vector<16xi32>, vector<16xi32>], vector<16xf32>,
      %dma_wait3A_528 = arith.constant 0 : i32
      %dma_wait3A_529 = arith.constant 0 : i32
      %dma_wait3A_530 = tpu.memref_slice %arg2[%dma_wait3A_528, %dma_wait3A_529] : memref<64x1000000xf32, #tpu.memory_space<hbm>> -> memref<64x128xf32, #tpu.memory_space<hbm>>
      %dma_wait3A_531 = arith.constant 0 : i32
      %dma_wait3A_532 = arith.constant 0 : i32
      %dma_wait3A_533 = tpu.memref_slice %arg2[%dma_wait3A_531, %dma_wait3A_532] : memref<64x1000000xf32, #tpu.memory_space<hbm>> -> memref<64x128xf32, #tpu.memory_space<hbm>>
      tpu.wait_dma2 semaphore(%arg18 : memref<!tpu.dma_semaphore, #tpu.memory_space<semaphore_mem>>) src(%dma_wait3A_533 : memref<64x128xf32, #tpu.memory_space<hbm>>) dst(%arg8 : memref<64x128xf32, #tpu.memory_space<vmem>>)
      %broadcast_in_dim3A_534 = arith.constant 1 : i32
      %broadcast_in_dim3A_535 = vector.broadcast %broadcast_in_dim3A_534 : i32 to vector<16xi32>
      %slice3A_536 = vector.extract_strided_slice %and3A {offsets = [11], sizes = [1], strides = [1]} : vector<16xi32> to vector<1xi32>
      %squeeze3A_537 = vector.extract %slice3A_536[0] : i32 from vector<1xi32>
      %mul3A_538 = vector.broadcast %squeeze3A_537 : i32 to vector<16xi32>
      %mul3A_539 = arith.muli %broadcast_in_dim3A_535, %mul3A_538 : vector<16xi32>
      %broadcast_in_dim3A_540 = arith.constant 1 : i32
      %broadcast_in_dim3A_541 = vector.broadcast %broadcast_in_dim3A_540 : i32 to vector<16xi32>
      %add3A_542 = arith.constant 11 : i32
      %add3A_543 = arith.addi %add3A_11, %add3A_542 : i32
      %mul3A_544 = vector.broadcast %add3A_543 : i32 to vector<16xi32>
      %mul3A_545 = arith.muli %broadcast_in_dim3A_541, %mul3A_544 : vector<16xi32>
      %add3A_546 = arith.constant 0 : i32
      %add3A_547 = vector.broadcast %add3A_546 : i32 to vector<16xi32>
      %add3A_548 = arith.addi %iota3A, %add3A_547 : vector<16xi32>
      %gather3A_549 = tpu.vector_load_idx %arg8[%add3A_548, %mul3A_539] : memref<64x128xf32, #tpu.memory_space<vmem>>[vector<16xi32>, vector<16xi32>], vector<16xf32>,
      tpu.vector_store_idx %arg6[%add3A_548, %mul3A_545], %gather3A_549 : memref<64x512xf32, #tpu.memory_space<vmem>>[vector<16xi32>, vector<16xi32>], vector<16xf32>,
      %add3A_550 = arith.constant 16 : i32
      %add3A_551 = vector.broadcast %add3A_550 : i32 to vector<16xi32>
      %add3A_552 = arith.addi %iota3A, %add3A_551 : vector<16xi32>
      %gather3A_553 = tpu.vector_load_idx %arg8[%add3A_552, %mul3A_539] : memref<64x128xf32, #tpu.memory_space<vmem>>[vector<16xi32>, vector<16xi32>], vector<16xf32>,
      tpu.vector_store_idx %arg6[%add3A_552, %mul3A_545], %gather3A_553 : memref<64x512xf32, #tpu.memory_space<vmem>>[vector<16xi32>, vector<16xi32>], vector<16xf32>,
      %add3A_554 = arith.constant 32 : i32
      %add3A_555 = vector.broadcast %add3A_554 : i32 to vector<16xi32>
      %add3A_556 = arith.addi %iota3A, %add3A_555 : vector<16xi32>
      %gather3A_557 = tpu.vector_load_idx %arg8[%add3A_556, %mul3A_539] : memref<64x128xf32, #tpu.memory_space<vmem>>[vector<16xi32>, vector<16xi32>], vector<16xf32>,
      tpu.vector_store_idx %arg6[%add3A_556, %mul3A_545], %gather3A_557 : memref<64x512xf32, #tpu.memory_space<vmem>>[vector<16xi32>, vector<16xi32>], vector<16xf32>,
      %add3A_558 = arith.constant 48 : i32
      %add3A_559 = vector.broadcast %add3A_558 : i32 to vector<16xi32>
      %add3A_560 = arith.addi %iota3A, %add3A_559 : vector<16xi32>
      %gather3A_561 = tpu.vector_load_idx %arg8[%add3A_560, %mul3A_539] : memref<64x128xf32, #tpu.memory_space<vmem>>[vector<16xi32>, vector<16xi32>], vector<16xf32>,
      tpu.vector_store_idx %arg6[%add3A_560, %mul3A_545], %gather3A_561 : memref<64x512xf32, #tpu.memory_space<vmem>>[vector<16xi32>, vector<16xi32>], vector<16xf32>,
      %dma_wait3A_562 = arith.constant 0 : i32
      %dma_wait3A_563 = arith.constant 0 : i32
      %dma_wait3A_564 = tpu.memref_slice %arg2[%dma_wait3A_562, %dma_wait3A_563] : memref<64x1000000xf32, #tpu.memory_space<hbm>> -> memref<64x128xf32, #tpu.memory_space<hbm>>
      %dma_wait3A_565 = arith.constant 0 : i32
      %dma_wait3A_566 = arith.constant 0 : i32
      %dma_wait3A_567 = tpu.memref_slice %arg2[%dma_wait3A_565, %dma_wait3A_566] : memref<64x1000000xf32, #tpu.memory_space<hbm>> -> memref<64x128xf32, #tpu.memory_space<hbm>>
      tpu.wait_dma2 semaphore(%arg19 : memref<!tpu.dma_semaphore, #tpu.memory_space<semaphore_mem>>) src(%dma_wait3A_567 : memref<64x128xf32, #tpu.memory_space<hbm>>) dst(%arg9 : memref<64x128xf32, #tpu.memory_space<vmem>>)
      %broadcast_in_dim3A_568 = arith.constant 1 : i32
      %broadcast_in_dim3A_569 = vector.broadcast %broadcast_in_dim3A_568 : i32 to vector<16xi32>
      %slice3A_570 = vector.extract_strided_slice %and3A {offsets = [12], sizes = [1], strides = [1]} : vector<16xi32> to vector<1xi32>
      %squeeze3A_571 = vector.extract %slice3A_570[0] : i32 from vector<1xi32>
      %mul3A_572 = vector.broadcast %squeeze3A_571 : i32 to vector<16xi32>
      %mul3A_573 = arith.muli %broadcast_in_dim3A_569, %mul3A_572 : vector<16xi32>
      %broadcast_in_dim3A_574 = arith.constant 1 : i32
      %broadcast_in_dim3A_575 = vector.broadcast %broadcast_in_dim3A_574 : i32 to vector<16xi32>
      %add3A_576 = arith.constant 12 : i32
      %add3A_577 = arith.addi %add3A_11, %add3A_576 : i32
      %mul3A_578 = vector.broadcast %add3A_577 : i32 to vector<16xi32>
      %mul3A_579 = arith.muli %broadcast_in_dim3A_575, %mul3A_578 : vector<16xi32>
      %add3A_580 = arith.constant 0 : i32
      %add3A_581 = vector.broadcast %add3A_580 : i32 to vector<16xi32>
      %add3A_582 = arith.addi %iota3A, %add3A_581 : vector<16xi32>
      %gather3A_583 = tpu.vector_load_idx %arg9[%add3A_582, %mul3A_573] : memref<64x128xf32, #tpu.memory_space<vmem>>[vector<16xi32>, vector<16xi32>], vector<16xf32>,
      tpu.vector_store_idx %arg6[%add3A_582, %mul3A_579], %gather3A_583 : memref<64x512xf32, #tpu.memory_space<vmem>>[vector<16xi32>, vector<16xi32>], vector<16xf32>,
      %add3A_584 = arith.constant 16 : i32
      %add3A_585 = vector.broadcast %add3A_584 : i32 to vector<16xi32>
      %add3A_586 = arith.addi %iota3A, %add3A_585 : vector<16xi32>
      %gather3A_587 = tpu.vector_load_idx %arg9[%add3A_586, %mul3A_573] : memref<64x128xf32, #tpu.memory_space<vmem>>[vector<16xi32>, vector<16xi32>], vector<16xf32>,
      tpu.vector_store_idx %arg6[%add3A_586, %mul3A_579], %gather3A_587 : memref<64x512xf32, #tpu.memory_space<vmem>>[vector<16xi32>, vector<16xi32>], vector<16xf32>,
      %add3A_588 = arith.constant 32 : i32
      %add3A_589 = vector.broadcast %add3A_588 : i32 to vector<16xi32>
      %add3A_590 = arith.addi %iota3A, %add3A_589 : vector<16xi32>
      %gather3A_591 = tpu.vector_load_idx %arg9[%add3A_590, %mul3A_573] : memref<64x128xf32, #tpu.memory_space<vmem>>[vector<16xi32>, vector<16xi32>], vector<16xf32>,
      tpu.vector_store_idx %arg6[%add3A_590, %mul3A_579], %gather3A_591 : memref<64x512xf32, #tpu.memory_space<vmem>>[vector<16xi32>, vector<16xi32>], vector<16xf32>,
      %add3A_592 = arith.constant 48 : i32
      %add3A_593 = vector.broadcast %add3A_592 : i32 to vector<16xi32>
      %add3A_594 = arith.addi %iota3A, %add3A_593 : vector<16xi32>
      %gather3A_595 = tpu.vector_load_idx %arg9[%add3A_594, %mul3A_573] : memref<64x128xf32, #tpu.memory_space<vmem>>[vector<16xi32>, vector<16xi32>], vector<16xf32>,
      tpu.vector_store_idx %arg6[%add3A_594, %mul3A_579], %gather3A_595 : memref<64x512xf32, #tpu.memory_space<vmem>>[vector<16xi32>, vector<16xi32>], vector<16xf32>,
      %dma_wait3A_596 = arith.constant 0 : i32
      %dma_wait3A_597 = arith.constant 0 : i32
      %dma_wait3A_598 = tpu.memref_slice %arg2[%dma_wait3A_596, %dma_wait3A_597] : memref<64x1000000xf32, #tpu.memory_space<hbm>> -> memref<64x128xf32, #tpu.memory_space<hbm>>
      %dma_wait3A_599 = arith.constant 0 : i32
      %dma_wait3A_600 = arith.constant 0 : i32
      %dma_wait3A_601 = tpu.memref_slice %arg2[%dma_wait3A_599, %dma_wait3A_600] : memref<64x1000000xf32, #tpu.memory_space<hbm>> -> memref<64x128xf32, #tpu.memory_space<hbm>>
      tpu.wait_dma2 semaphore(%arg20 : memref<!tpu.dma_semaphore, #tpu.memory_space<semaphore_mem>>) src(%dma_wait3A_601 : memref<64x128xf32, #tpu.memory_space<hbm>>) dst(%arg10 : memref<64x128xf32, #tpu.memory_space<vmem>>)
      %broadcast_in_dim3A_602 = arith.constant 1 : i32
      %broadcast_in_dim3A_603 = vector.broadcast %broadcast_in_dim3A_602 : i32 to vector<16xi32>
      %slice3A_604 = vector.extract_strided_slice %and3A {offsets = [13], sizes = [1], strides = [1]} : vector<16xi32> to vector<1xi32>
      %squeeze3A_605 = vector.extract %slice3A_604[0] : i32 from vector<1xi32>
      %mul3A_606 = vector.broadcast %squeeze3A_605 : i32 to vector<16xi32>
      %mul3A_607 = arith.muli %broadcast_in_dim3A_603, %mul3A_606 : vector<16xi32>
      %broadcast_in_dim3A_608 = arith.constant 1 : i32
      %broadcast_in_dim3A_609 = vector.broadcast %broadcast_in_dim3A_608 : i32 to vector<16xi32>
      %add3A_610 = arith.constant 13 : i32
      %add3A_611 = arith.addi %add3A_11, %add3A_610 : i32
      %mul3A_612 = vector.broadcast %add3A_611 : i32 to vector<16xi32>
      %mul3A_613 = arith.muli %broadcast_in_dim3A_609, %mul3A_612 : vector<16xi32>
      %add3A_614 = arith.constant 0 : i32
      %add3A_615 = vector.broadcast %add3A_614 : i32 to vector<16xi32>
      %add3A_616 = arith.addi %iota3A, %add3A_615 : vector<16xi32>
      %gather3A_617 = tpu.vector_load_idx %arg10[%add3A_616, %mul3A_607] : memref<64x128xf32, #tpu.memory_space<vmem>>[vector<16xi32>, vector<16xi32>], vector<16xf32>,
      tpu.vector_store_idx %arg6[%add3A_616, %mul3A_613], %gather3A_617 : memref<64x512xf32, #tpu.memory_space<vmem>>[vector<16xi32>, vector<16xi32>], vector<16xf32>,
      %add3A_618 = arith.constant 16 : i32
      %add3A_619 = vector.broadcast %add3A_618 : i32 to vector<16xi32>
      %add3A_620 = arith.addi %iota3A, %add3A_619 : vector<16xi32>
      %gather3A_621 = tpu.vector_load_idx %arg10[%add3A_620, %mul3A_607] : memref<64x128xf32, #tpu.memory_space<vmem>>[vector<16xi32>, vector<16xi32>], vector<16xf32>,
      tpu.vector_store_idx %arg6[%add3A_620, %mul3A_613], %gather3A_621 : memref<64x512xf32, #tpu.memory_space<vmem>>[vector<16xi32>, vector<16xi32>], vector<16xf32>,
      %add3A_622 = arith.constant 32 : i32
      %add3A_623 = vector.broadcast %add3A_622 : i32 to vector<16xi32>
      %add3A_624 = arith.addi %iota3A, %add3A_623 : vector<16xi32>
      %gather3A_625 = tpu.vector_load_idx %arg10[%add3A_624, %mul3A_607] : memref<64x128xf32, #tpu.memory_space<vmem>>[vector<16xi32>, vector<16xi32>], vector<16xf32>,
      tpu.vector_store_idx %arg6[%add3A_624, %mul3A_613], %gather3A_625 : memref<64x512xf32, #tpu.memory_space<vmem>>[vector<16xi32>, vector<16xi32>], vector<16xf32>,
      %add3A_626 = arith.constant 48 : i32
      %add3A_627 = vector.broadcast %add3A_626 : i32 to vector<16xi32>
      %add3A_628 = arith.addi %iota3A, %add3A_627 : vector<16xi32>
      %gather3A_629 = tpu.vector_load_idx %arg10[%add3A_628, %mul3A_607] : memref<64x128xf32, #tpu.memory_space<vmem>>[vector<16xi32>, vector<16xi32>], vector<16xf32>,
      tpu.vector_store_idx %arg6[%add3A_628, %mul3A_613], %gather3A_629 : memref<64x512xf32, #tpu.memory_space<vmem>>[vector<16xi32>, vector<16xi32>], vector<16xf32>,
      %dma_wait3A_630 = arith.constant 0 : i32
      %dma_wait3A_631 = arith.constant 0 : i32
      %dma_wait3A_632 = tpu.memref_slice %arg2[%dma_wait3A_630, %dma_wait3A_631] : memref<64x1000000xf32, #tpu.memory_space<hbm>> -> memref<64x128xf32, #tpu.memory_space<hbm>>
      %dma_wait3A_633 = arith.constant 0 : i32
      %dma_wait3A_634 = arith.constant 0 : i32
      %dma_wait3A_635 = tpu.memref_slice %arg2[%dma_wait3A_633, %dma_wait3A_634] : memref<64x1000000xf32, #tpu.memory_space<hbm>> -> memref<64x128xf32, #tpu.memory_space<hbm>>
      tpu.wait_dma2 semaphore(%arg21 : memref<!tpu.dma_semaphore, #tpu.memory_space<semaphore_mem>>) src(%dma_wait3A_635 : memref<64x128xf32, #tpu.memory_space<hbm>>) dst(%arg11 : memref<64x128xf32, #tpu.memory_space<vmem>>)
      %broadcast_in_dim3A_636 = arith.constant 1 : i32
      %broadcast_in_dim3A_637 = vector.broadcast %broadcast_in_dim3A_636 : i32 to vector<16xi32>
      %slice3A_638 = vector.extract_strided_slice %and3A {offsets = [14], sizes = [1], strides = [1]} : vector<16xi32> to vector<1xi32>
      %squeeze3A_639 = vector.extract %slice3A_638[0] : i32 from vector<1xi32>
      %mul3A_640 = vector.broadcast %squeeze3A_639 : i32 to vector<16xi32>
      %mul3A_641 = arith.muli %broadcast_in_dim3A_637, %mul3A_640 : vector<16xi32>
      %broadcast_in_dim3A_642 = arith.constant 1 : i32
      %broadcast_in_dim3A_643 = vector.broadcast %broadcast_in_dim3A_642 : i32 to vector<16xi32>
      %add3A_644 = arith.constant 14 : i32
      %add3A_645 = arith.addi %add3A_11, %add3A_644 : i32
      %mul3A_646 = vector.broadcast %add3A_645 : i32 to vector<16xi32>
      %mul3A_647 = arith.muli %broadcast_in_dim3A_643, %mul3A_646 : vector<16xi32>
      %add3A_648 = arith.constant 0 : i32
      %add3A_649 = vector.broadcast %add3A_648 : i32 to vector<16xi32>
      %add3A_650 = arith.addi %iota3A, %add3A_649 : vector<16xi32>
      %gather3A_651 = tpu.vector_load_idx %arg11[%add3A_650, %mul3A_641] : memref<64x128xf32, #tpu.memory_space<vmem>>[vector<16xi32>, vector<16xi32>], vector<16xf32>,
      tpu.vector_store_idx %arg6[%add3A_650, %mul3A_647], %gather3A_651 : memref<64x512xf32, #tpu.memory_space<vmem>>[vector<16xi32>, vector<16xi32>], vector<16xf32>,
      %add3A_652 = arith.constant 16 : i32
      %add3A_653 = vector.broadcast %add3A_652 : i32 to vector<16xi32>
      %add3A_654 = arith.addi %iota3A, %add3A_653 : vector<16xi32>
      %gather3A_655 = tpu.vector_load_idx %arg11[%add3A_654, %mul3A_641] : memref<64x128xf32, #tpu.memory_space<vmem>>[vector<16xi32>, vector<16xi32>], vector<16xf32>,
      tpu.vector_store_idx %arg6[%add3A_654, %mul3A_647], %gather3A_655 : memref<64x512xf32, #tpu.memory_space<vmem>>[vector<16xi32>, vector<16xi32>], vector<16xf32>,
      %add3A_656 = arith.constant 32 : i32
      %add3A_657 = vector.broadcast %add3A_656 : i32 to vector<16xi32>
      %add3A_658 = arith.addi %iota3A, %add3A_657 : vector<16xi32>
      %gather3A_659 = tpu.vector_load_idx %arg11[%add3A_658, %mul3A_641] : memref<64x128xf32, #tpu.memory_space<vmem>>[vector<16xi32>, vector<16xi32>], vector<16xf32>,
      tpu.vector_store_idx %arg6[%add3A_658, %mul3A_647], %gather3A_659 : memref<64x512xf32, #tpu.memory_space<vmem>>[vector<16xi32>, vector<16xi32>], vector<16xf32>,
      %add3A_660 = arith.constant 48 : i32
      %add3A_661 = vector.broadcast %add3A_660 : i32 to vector<16xi32>
      %add3A_662 = arith.addi %iota3A, %add3A_661 : vector<16xi32>
      %gather3A_663 = tpu.vector_load_idx %arg11[%add3A_662, %mul3A_641] : memref<64x128xf32, #tpu.memory_space<vmem>>[vector<16xi32>, vector<16xi32>], vector<16xf32>,
      tpu.vector_store_idx %arg6[%add3A_662, %mul3A_647], %gather3A_663 : memref<64x512xf32, #tpu.memory_space<vmem>>[vector<16xi32>, vector<16xi32>], vector<16xf32>,
      %dma_wait3A_664 = arith.constant 0 : i32
      %dma_wait3A_665 = arith.constant 0 : i32
      %dma_wait3A_666 = tpu.memref_slice %arg2[%dma_wait3A_664, %dma_wait3A_665] : memref<64x1000000xf32, #tpu.memory_space<hbm>> -> memref<64x128xf32, #tpu.memory_space<hbm>>
      %dma_wait3A_667 = arith.constant 0 : i32
      %dma_wait3A_668 = arith.constant 0 : i32
      %dma_wait3A_669 = tpu.memref_slice %arg2[%dma_wait3A_667, %dma_wait3A_668] : memref<64x1000000xf32, #tpu.memory_space<hbm>> -> memref<64x128xf32, #tpu.memory_space<hbm>>
      tpu.wait_dma2 semaphore(%arg22 : memref<!tpu.dma_semaphore, #tpu.memory_space<semaphore_mem>>) src(%dma_wait3A_669 : memref<64x128xf32, #tpu.memory_space<hbm>>) dst(%arg12 : memref<64x128xf32, #tpu.memory_space<vmem>>)
      %broadcast_in_dim3A_670 = arith.constant 1 : i32
      %broadcast_in_dim3A_671 = vector.broadcast %broadcast_in_dim3A_670 : i32 to vector<16xi32>
      %slice3A_672 = vector.extract_strided_slice %and3A {offsets = [15], sizes = [1], strides = [1]} : vector<16xi32> to vector<1xi32>
      %squeeze3A_673 = vector.extract %slice3A_672[0] : i32 from vector<1xi32>
      %mul3A_674 = vector.broadcast %squeeze3A_673 : i32 to vector<16xi32>
      %mul3A_675 = arith.muli %broadcast_in_dim3A_671, %mul3A_674 : vector<16xi32>
      %broadcast_in_dim3A_676 = arith.constant 1 : i32
      %broadcast_in_dim3A_677 = vector.broadcast %broadcast_in_dim3A_676 : i32 to vector<16xi32>
      %add3A_678 = arith.constant 15 : i32
      %add3A_679 = arith.addi %add3A_11, %add3A_678 : i32
      %mul3A_680 = vector.broadcast %add3A_679 : i32 to vector<16xi32>
      %mul3A_681 = arith.muli %broadcast_in_dim3A_677, %mul3A_680 : vector<16xi32>
      %add3A_682 = arith.constant 0 : i32
      %add3A_683 = vector.broadcast %add3A_682 : i32 to vector<16xi32>
      %add3A_684 = arith.addi %iota3A, %add3A_683 : vector<16xi32>
      %gather3A_685 = tpu.vector_load_idx %arg12[%add3A_684, %mul3A_675] : memref<64x128xf32, #tpu.memory_space<vmem>>[vector<16xi32>, vector<16xi32>], vector<16xf32>,
      tpu.vector_store_idx %arg6[%add3A_684, %mul3A_681], %gather3A_685 : memref<64x512xf32, #tpu.memory_space<vmem>>[vector<16xi32>, vector<16xi32>], vector<16xf32>,
      %add3A_686 = arith.constant 16 : i32
      %add3A_687 = vector.broadcast %add3A_686 : i32 to vector<16xi32>
      %add3A_688 = arith.addi %iota3A, %add3A_687 : vector<16xi32>
      %gather3A_689 = tpu.vector_load_idx %arg12[%add3A_688, %mul3A_675] : memref<64x128xf32, #tpu.memory_space<vmem>>[vector<16xi32>, vector<16xi32>], vector<16xf32>,
      tpu.vector_store_idx %arg6[%add3A_688, %mul3A_681], %gather3A_689 : memref<64x512xf32, #tpu.memory_space<vmem>>[vector<16xi32>, vector<16xi32>], vector<16xf32>,
      %add3A_690 = arith.constant 32 : i32
      %add3A_691 = vector.broadcast %add3A_690 : i32 to vector<16xi32>
      %add3A_692 = arith.addi %iota3A, %add3A_691 : vector<16xi32>
      %gather3A_693 = tpu.vector_load_idx %arg12[%add3A_692, %mul3A_675] : memref<64x128xf32, #tpu.memory_space<vmem>>[vector<16xi32>, vector<16xi32>], vector<16xf32>,
      tpu.vector_store_idx %arg6[%add3A_692, %mul3A_681], %gather3A_693 : memref<64x512xf32, #tpu.memory_space<vmem>>[vector<16xi32>, vector<16xi32>], vector<16xf32>,
      %add3A_694 = arith.constant 48 : i32
      %add3A_695 = vector.broadcast %add3A_694 : i32 to vector<16xi32>
      %add3A_696 = arith.addi %iota3A, %add3A_695 : vector<16xi32>
      %gather3A_697 = tpu.vector_load_idx %arg12[%add3A_696, %mul3A_675] : memref<64x128xf32, #tpu.memory_space<vmem>>[vector<16xi32>, vector<16xi32>], vector<16xf32>,
      tpu.vector_store_idx %arg6[%add3A_696, %mul3A_681], %gather3A_697 : memref<64x512xf32, #tpu.memory_space<vmem>>[vector<16xi32>, vector<16xi32>], vector<16xf32>,
    }
    %scan3A_6 = arith.constant 32 : i32
    "tpu.region"() ({
      %run_scoped3A = tpu.sem_alloc : memref<!tpu.dma_semaphore, #tpu.memory_space<semaphore_mem>>
      %dma_start3A = arith.constant 0 : i32
      %dma_start3A_7 = tpu.memref_slice %arg4[%dma_start3A, %mul3A_2] : memref<64x16384xf32, #tpu.memory_space<hbm>> -> memref<64x512xf32, #tpu.memory_space<hbm>>
      %dma_start3A_8 = arith.constant 0 : i32
      %dma_start3A_9 = tpu.memref_slice %arg4[%dma_start3A_8, %mul3A_2] : memref<64x16384xf32, #tpu.memory_space<hbm>> -> memref<64x512xf32, #tpu.memory_space<hbm>>
      tpu.enqueue_dma source(%arg6 : memref<64x512xf32, #tpu.memory_space<vmem>>) target(%dma_start3A_9 : memref<64x512xf32, #tpu.memory_space<hbm>>) target_semaphore(%run_scoped3A : memref<!tpu.dma_semaphore, #tpu.memory_space<semaphore_mem>>)
      %dma_wait3A = arith.constant 0 : i32
      %dma_wait3A_10 = tpu.memref_slice %arg4[%dma_wait3A, %mul3A_2] : memref<64x16384xf32, #tpu.memory_space<hbm>> -> memref<64x512xf32, #tpu.memory_space<hbm>>
      %dma_wait3A_11 = arith.constant 0 : i32
      %dma_wait3A_12 = tpu.memref_slice %arg4[%dma_wait3A_11, %mul3A_2] : memref<64x16384xf32, #tpu.memory_space<hbm>> -> memref<64x512xf32, #tpu.memory_space<hbm>>
      tpu.wait_dma2 semaphore(%run_scoped3A : memref<!tpu.dma_semaphore, #tpu.memory_space<semaphore_mem>>) src(%arg6 : memref<64x512xf32, #tpu.memory_space<vmem>>) dst(%dma_wait3A_12 : memref<64x512xf32, #tpu.memory_space<hbm>>)
      tpu.yield
    }) : () -> ()
    return
  }
}

module attributes {stable_mosaic.version = 14 : i64} {
  func.func @_mm_body(%arg0: i32, %arg1: memref<64x2048xf32, #tpu.memory_space<vmem>>, %arg2: memref<128x64xf32, #tpu.memory_space<vmem>>, %arg3: memref<1x128xf32, #tpu.memory_space<vmem>>, %arg4: memref<2048x128xf32, #tpu.memory_space<vmem>>) attributes {dimension_semantics = [#tpu.dimension_semantics<arbitrary>], iteration_bounds = array<i64: 8>, scalar_prefetch = 0 : i64, scratch_operands = 0 : i64, tpu.core_type = #tpu.core_type<tc>, window_params = [{transform_indices = @transform_0, window_bounds = array<i64: 64, 2048>}, {pipeline_mode = #tpu.pipeline_mode<synchronous>, transform_indices = @transform_1, window_bounds = array<i64: 128, 64>}, {pipeline_mode = #tpu.pipeline_mode<synchronous>, transform_indices = @transform_2, window_bounds = array<i64: 1, 128>}, {transform_indices = @transform_3, window_bounds = array<i64: 2048, 128>}]} {
    %get3A = arith.constant 0 : index
    %get3A_0 = arith.constant 0 : index
    %get3A_1 = vector.load %arg1[%get3A, %get3A_0] : memref<64x2048xf32, #tpu.memory_space<vmem>>, vector<64x2048xf32>
    %get3A_2 = arith.constant 0 : index
    %get3A_3 = arith.constant 0 : index
    %get3A_4 = vector.load %arg2[%get3A_2, %get3A_3] : memref<128x64xf32, #tpu.memory_space<vmem>>, vector<128x64xf32>
    %dot_general3A = arith.constant dense<0.000000e+00> : vector<2048x128xf32>
    %dot_general3A_5 = tpu.matmul %get3A_1, %get3A_4, %dot_general3A {dimension_numbers = #tpu.dot_dimension_numbers<[0], [1], [1], [0], [0, 1, 1, 0], [], []>, transpose_lhs_hint = false} : vector<64x2048xf32>, vector<128x64xf32>, vector<2048x128xf32> -> vector<2048x128xf32>
    %get3A_6 = arith.constant 0 : index
    %get3A_7 = arith.constant 0 : index
    %get3A_8 = vector.load %arg3[%get3A_6, %get3A_7] : memref<1x128xf32, #tpu.memory_space<vmem>>, vector<1x128xf32>
    %add3A = vector.broadcast %get3A_8 : vector<1x128xf32> to vector<2048x128xf32>
    %add3A_9 = arith.addf %dot_general3A_5, %add3A : vector<2048x128xf32>
    %swap3A = arith.constant 0 : index
    %swap3A_10 = arith.constant 0 : index
    %swap3A_11 = vector.load %arg4[%swap3A, %swap3A_10] : memref<2048x128xf32, #tpu.memory_space<vmem>>, vector<2048x128xf32>
    tpu.vector_store %arg4[%swap3A, %swap3A_10], %add3A_9 {strides = array<i32>} : memref<2048x128xf32, #tpu.memory_space<vmem>>, vector<2048x128xf32>,
    return
  }
  func.func @transform_0(%arg0: i32) -> (i32, i32) {
    %c0_i32 = arith.constant 0 : i32
    %c0_i32_0 = arith.constant 0 : i32
    return %c0_i32, %arg0 : i32, i32
  }
  func.func @transform_1(%arg0: i32) -> (i32, i32) {
    %c0_i32 = arith.constant 0 : i32
    %c0_i32_0 = arith.constant 0 : i32
    %c0_i32_1 = arith.constant 0 : i32
    return %c0_i32, %c0_i32_0 : i32, i32
  }
  func.func @transform_2(%arg0: i32) -> (i32, i32) {
    %c0_i32 = arith.constant 0 : i32
    %c0_i32_0 = arith.constant 0 : i32
    %c0_i32_1 = arith.constant 0 : i32
    return %c0_i32, %c0_i32_0 : i32, i32
  }
  func.func @transform_3(%arg0: i32) -> (i32, i32) {
    %c0_i32 = arith.constant 0 : i32
    %c0_i32_0 = arith.constant 0 : i32
    return %arg0, %c0_i32 : i32, i32
  }
}

</mosaic_0001>

<sc_bundles>
// kernel: kernel.4.cloned.1.call-start
scs
__scs_entry_jumppad:
0x0: {  	(pc) =	sbr.rel $0x88, $3  }
0x1: {  	(tag) =	ssettag $0x0;
	lr =	simm.s32 $0x1  }
0x2: {  	[smem:$0x3F9D] =	sst lr;
	_ =	strace $0xD0000000  }
0x3: {  	_ = 	snop  }
0x4: {  	_ = 	snop  }
0x5: {  	_ = 	snop  }
0x6: {  	_ = 	snop  }
0x7: {  	_ = 	snop  }
__scs_overlays_trampoline_lowered:
0x8: {  	[smem:$0x3FAC] =	sst s0  }
0x9: {  	[smem:$0x3FAD] =	sst s1  }
0xa: {  	[smem:$0x3FAE] =	sst s2  }
0xb: {  	[smem:$0x3FAF] =	sst s3  }
0xc: {  	[smem:$0x3FB0] =	sst s4  }
0xd: {  	[smem:$0x3FB1] =	sst s5  }
0xe: {  	[smem:$0x3FB2] =	sst s6  }
0xf: {  	[smem:$0x3FB3] =	sst s7  }
0x10: {  	[smem:$0x3FB4] =	sst s8  }
0x11: {  	[smem:$0x3FB5] =	sst s9;
	s0 =	simm.s32 @!p0 $0x0  }
0x12: {  	s1 =	sld [smem:$0x3F9B];
	s0 =	simm.s32 @p0 $0x1  }
0x13: {  	[smem:$0x3FB6] =	sst s0;
	s0 =	simm.s32 @!p1 $0x0  }
0x14: {  	s2 =	sld [smem:$0x3F9A];
	s0 =	simm.s32 @p1 $0x1  }
0x15: {  	[smem:$0x3FB7] =	sst s0;
	s0 =	simm.s32 @!p2 $0x0  }
0x16: {  	s3 =	sld [smem:$0x3FDB];
	s0 =	simm.s32 @p2 $0x1  }
0x17: {  	s4 =	simm.s32 $0x1BF5;
	[smem:$0x3FB9] =	sst s0  }
0x18: {  	s0 =	sld [smem:$0x3F9C];
	_ =	swait.ge [sflag:s4], $0x0  }
0x19: {  	s7 =	sld [smem:$0x3F9D]  }
0x1a: {  	s8 =	sadd.s32 $0xFFFFE003, lr  }
0x1b: {  	s9 =	sadd.s32 $0xFFFFFEF7, lr;
	s5 =	simm.s32 $0xFFFFFFFF;
	p2 =	slt.u32 s8, $0xFFFFF086  }
0x1c: {  	p1 =	slt.u32 s9, $0xF7A;
	s5 =	simm.s32 @!p2 $0x0  }
0x1d: {  	s5 =	simm.s32 @p1 $0x1;
	p0 =	seq.s32 s7, s2  }
0x1e: {  	s7 =	smul.u32 @!p0 $0xF7A, s2;
	p2 =	seq.s32 @!p0 s5, $0x0  }
0x1f: {  	s9 =	smul.u32 $0xF7A, s1;
	s8 =	simm.s32 @!p0 $0x1BF5;
	p2 =	por !p2, p0  }
0x20: {  	[sflag:s8] =	ssyncset.s32 @!p0 $0xFFFFF086;
	s6 =	sadd.s32 @!p0 s3, s7;
	s7 =	simm.s32 @!p0 $0x108  }
0x21: {  	s3 =	sadd.s32 s3, s9;
	s6 =	sadd.s32 @!p0 $0x88, s6;
	s7 =	simm.s32 @p2 $0x1082  }
0x22: {  	[simem:s7], [sflag:s8] =	dma.local @!p0 [hbm:s6], $0xF7A  }
0x23: {  	s9 =	sor.u32 $0xD0000000, s2;
	s6 =	simm.s32 $0x108;
	_ =	swait.ge @!p0 [sflag:s8], $0x0  }
0x24: {  	s3 =	sadd.s32 $0x88, s3;
	s6 =	simm.s32 @!p1 $0x1082;
	[sflag:s4] =	ssyncset.s32 $0xFFFFF086  }
0x25: {  	[simem:s6], [sflag:s4] =	dma.local [hbm:s3], $0xF7A  }
0x26: {  	[smem:$0x3F9D] =	sst s1;
	(tag) =	ssettag s2;
	_ =	strace s9  }
0x27: {  	s1 =	sld [smem:$0x3FAD]  }
0x28: {  	s2 =	sld [smem:$0x3FAE]  }
0x29: {  	s4 =	sld [smem:$0x3FB0]  }
0x2a: {  	p0 =	seq.s32 s5, $0x0;
	s5 =	sld [smem:$0x3FB1]  }
0x2b: {  	s6 =	sld [smem:$0x3FB2]  }
0x2c: {  	s7 =	sld [smem:$0x3FB3]  }
0x2d: {  	s3 =	simm.s32 $0x108;
	s8 =	sld [smem:$0x3FB4]  }
0x2e: {  	s3 =	simm.s32 @!p0 $0x1082;
	s9 =	sld [smem:$0x3FB5]  }
0x2f: {  	lr =	sadd.s32 s0, s3;
	s0 =	sld [smem:$0x3FAC]  }
0x30: {  	s3 =	sld [smem:$0x3FAF]  }
0x31: {  	[smem:$0x3FB8] =	sst s10  }
0x32: {  	s10 =	sld [smem:$0x3FB6];
	_ =	sdelay $0x3  }
0x33: {  	p0 =	seq.s32 s10, $0x1;
	s10 =	sld [smem:$0x3FB8];
	_ =	sdelay $0x3  }
0x34: {  	[smem:$0x3FB8] =	sst s10  }
0x35: {  	s10 =	sld [smem:$0x3FB7];
	_ =	sdelay $0x3  }
0x36: {  	p1 =	seq.s32 s10, $0x1;
	s10 =	sld [smem:$0x3FB8];
	_ =	sdelay $0x3  }
0x37: {  	[smem:$0x3FB8] =	sst s10  }
0x38: {  	s10 =	sld [smem:$0x3FB9]  }
0x39: {  	_ = 	snop;
	(pc) =	sbr.ind lr, $3  }
0x3a: {  	_ = 	snop  }
0x3b: {  	_ = 	snop  }
0x3c: {  	p2 =	seq.s32 s10, $0x1;
	s10 =	sld [smem:$0x3FB8]  }
0x3d: {  	_ =	shalt  }
0x3e: {  	_ =	shalt  }
0x3f: {  	_ =	shalt  }
0x40: {  	_ =	shalt  }
0x41: {  	_ =	shalt  }
0x42: {  	_ =	shalt  }
0x43: {  	_ =	shalt  }
0x44: {  	_ =	shalt  }
0x45: {  	_ =	shalt  }
0x46: {  	_ =	shalt  }
0x47: {  	_ =	shalt  }
0x48: {  	_ =	shalt  }
0x49: {  	_ =	shalt  }
0x4a: {  	_ =	shalt  }
0x4b: {  	_ =	shalt  }
0x4c: {  	_ =	shalt  }
0x4d: {  	_ =	shalt  }
0x4e: {  	_ =	shalt  }
0x4f: {  	_ =	shalt  }
0x50: {  	_ =	shalt  }
0x51: {  	_ =	shalt  }
0x52: {  	_ =	shalt  }
0x53: {  	_ =	shalt  }
0x54: {  	_ =	shalt  }
0x55: {  	_ =	shalt  }
0x56: {  	_ =	shalt  }
0x57: {  	_ =	shalt  }
0x58: {  	_ =	shalt  }
0x59: {  	_ =	shalt  }
0x5a: {  	_ =	shalt  }
0x5b: {  	_ =	shalt  }
0x5c: {  	_ =	shalt  }
0x5d: {  	_ =	shalt  }
0x5e: {  	_ =	shalt  }
0x5f: {  	_ =	shalt  }
0x60: {  	_ =	shalt  }
0x61: {  	_ =	shalt  }
0x62: {  	_ =	shalt  }
0x63: {  	_ =	shalt  }
0x64: {  	_ =	shalt  }
0x65: {  	_ =	shalt  }
0x66: {  	_ =	shalt  }
0x67: {  	_ =	shalt  }
0x68: {  	_ =	shalt  }
0x69: {  	_ =	shalt  }
0x6a: {  	_ =	shalt  }
0x6b: {  	_ =	shalt  }
0x6c: {  	_ =	shalt  }
0x6d: {  	_ =	shalt  }
0x6e: {  	_ =	shalt  }
0x6f: {  	_ =	shalt  }
0x70: {  	_ =	shalt  }
0x71: {  	_ =	shalt  }
0x72: {  	_ =	shalt  }
0x73: {  	_ =	shalt  }
0x74: {  	_ =	shalt  }
0x75: {  	_ =	shalt  }
0x76: {  	_ =	shalt  }
0x77: {  	_ =	shalt  }
0x78: {  	_ =	shalt  }
0x79: {  	_ =	shalt  }
0x7a: {  	_ =	shalt  }
0x7b: {  	_ =	shalt  }
0x7c: {  	_ =	shalt  }
0x7d: {  	_ =	shalt  }
0x7e: {  	_ =	shalt  }
0x7f: {  	_ =	shalt  }
0x80: {  	_ =	shalt  }
0x81: {  	_ =	shalt  }
0x82: {  	_ =	shalt  }
0x83: {  	_ =	shalt  }
0x84: {  	_ =	shalt  }
0x85: {  	_ =	shalt  }
0x86: {  	_ =	shalt  }
0x87: {  	_ =	shalt  }
.Lfunc_end0:
.L_simem_size_0:
called_computation_lowered:
.L_overlay_start_0:
0x88: {  	s2 =	sld [smem:$0x3FD9]  }
0x89: {  	s3 =	sld [smem:$0x3FFE];
	_ =	sdelay $0x1  }
0x8a: {  	s1 =	srdreg.scid  }
0x8b: {  	s0 =	sand.u32 $0x1, s1  }
0x8c: {  	s18 =	sshll.u32 s0, $0xA;
	s2 =	sadd.s32 s3, s2  }
0x8d: {  	s2 =	sadd.s32 s2, s18  }
0x8e: {  	[smem:$0x3FC4] =	sst s2  }
0x8f: {  	_ = 	snop  }
0x90: {  	s2 =	sld [smem:$0x3FC9]  }
0x91: {  	s19 =	sld [smem:$0x3FC8]  }
0x92: {  	s4 =	sld [smem:$0x3FD0];
	(tm) =	ssettm $0x1  }
0x93: {  	s5 =	sld [smem:$0x3FFB];
	_ =	sdelay $0x3  }
0x94: {  	_ =	strace s5  }
0x95: {  	s5 =	sld [smem:$0x3FFC];
	_ =	sdelay $0x3  }
0x96: {  	_ =	strace s5  }
0x97: {  	s5 =	sld [smem:$0x3FFD];
	_ =	sdelay $0x3  }
0x98: {  	_ =	strace s5  }
0x99: {  	_ =	strace $0x8FFFFFFF  }
0x9a: {  	s20 =	sld [smem:$0x3FDB];
	_ =	sdelay $0x1  }
0x9b: {  	s6 =	simm.s32 $_scs_section_size  }
0x9c: {  	s7 =	simm.s32 $_size__tile_overlayer_lowered;
	s8 =	simm.s32 $_tile_overlayer_lowered  }
0x9d: {  	s23 =	simm.s32 $0x1BFF;
	s22 =	sshll.u32 s8, $0x1;
	s5 =	sadd.s32 s6, s20  }
0x9e: {  	s9 =	simm.s32 $0x0;
	s21 =	sshll.u32 s7, $0x1;
	s7 =	sadd.s32 s22, s5  }
0x9f: {  	[timem:s9], [sflag:s23] =	dma.local [hbm:s7], s21  }
0xa0: {  	_ =	swait.ge [sflag:s23], s21  }
0xa1: {  	s6 =	ssub.s32 $0x0, s21;
	[sflag:s23] =	ssyncset.done $0x0  }
0xa2: {  	[sflag:s23] =	ssyncadd.s32 s6;
	_ =	sdelay $0x1  }
0xa3: {  	s24 =	simm.s32 $0x1B8B  }
0xa4: {  	_ =	swait.ge [sflag:s24], $0x1  }
0xa5: {  	[sflag:s24] =	ssyncset.done $0x0  }
0xa6: {  	s25 =	simm.s32 $0x1B8E;
	[sflag:s24] =	ssyncadd.s32 $0xFFFFFFFF  }
0xa7: {  	s26 =	simm.s32 $execute0_lowered;
	[smem:$0x3FD2] =	sst s25  }
0xa8: {  	s6 =	sshll.u32 s26, $0x1;
	_ =	strace $0x80000046;
	[dreg:$0x1] =	wrdreg $0xFFFFFFFF  }
0xa9: {  	s28 =	simm.s32 $_size_execute0_lowered;
	s5 =	sadd.s32 s5, s6;
	[dreg:$0x0] =	wrdreg $0x0  }
0xaa: {  	s6 =	sshll.u32 s28, $0x1;
	[dreg:$0x2] =	wrdreg s5  }
0xab: {  	[dreg:$0x3] =	wrdreg s6  }
0xac: {  	[dreg:$0x4] =	wrdreg $0xC0  }
0xad: {  	_ =	task [dreg:s9], $0x5FFFF  }
0xae: {  	[dreg:$0x1] =	wrdreg $0xFFFFFFFF  }
0xaf: {  	[dreg:$0x0] =	wrdreg $0x60  }
0xb0: {  	[dreg:$0x2] =	wrdreg s19  }
0xb1: {  	[dreg:$0x3] =	wrdreg s2  }
0xb2: {  	[dreg:$0x4] =	wrdreg s4  }
0xb3: {  	[dreg:$0x5] =	wrdreg $0x9  }
0xb4: {  	_ =	task.clear_ibuf [dreg:s9], $0x6FFFF;
	_ =	strace $0x90000046  }
0xb5: {  	s29 =	simm.s32 $0x9;
	_ =	strace $0x80000048  }
0xb6: {  	_ =	swait.ge [sflag:s29], $0x1  }
0xb7: {  	[sflag:s29] =	ssyncadd.s32 $0xFFFFFFFF  }
0xb8: {  	_ =	strace $0x90000048  }
0xb9: {  	_ =	sfence  }
0xba: {  	s30 =	sld [smem:$0x0];
	_ =	sdelay $0x2  }
0xbb: {  	s31 =	sshll.u32 s1, $0xD;
	s1 =	sshrl.u32 s1, $0x2  }
0xbc: {  	s3 =	sand.u32 $0x4000, s31;
	s1 =	sadd.s32 s1, s30  }
0xbd: {  	s0 =	sor.u32 s3, s0;
	s1 =	sshll.u32 s1, $0x11  }
0xbe: {  	s0 =	sor.u32 s1, s0  }
0xbf: {  	s0 =	sadd.s32 $0x8F2B, s0  }
0xc0: {  	[sflag:s0] =	ssyncadd.remote.s32 $0x1  }
0xc1: {  	_ =	sfence.sel $0xFFFF  }
0xc2: {  	[dreg:$0x0] =	wrdreg $0xFFFFFFFF;
	(pc) =	sbr.abs _section_cstart, $3  }
0xc3: {  	[dreg:$0x1] =	wrdreg $0xFFFFFFFF  }
0xc4: {  	_ =	task.clear_ibuf [dreg:s9], $0x2FFFF;
	_ =	strace $0x9FFFFFFF  }
0xc5: {  	(tm) =	ssettm $0x7FFFFFFF  }
tec
execute0_lowered:
.L_overlay_start_1:
0x0: {  	(tag) =	ssettag $0x1  }
0x1: {  	v0 =	vimm.s32 $0x1380;
	vm14 =	vcmask $0x300;
	vm13 =	vcmask $0x704  }
0x2: {  	vm12 =	vcmask $0xB08;
	vm11 =	vcmask $0xF0C;
	vm10 =	vcmask $0x1310  }
0x3: {  	vm9 =	vcmask $0x1714;
	vm8 =	vcmask $0x1B18;
	vm7 =	vcmask $0x1F1C  }
0x4: {  	vm6 =	vcmask $0x2320;
	vm5 =	vcmask $0x2724;
	vm4 =	vcmask $0x2B28  }
0x5: {  	vm3 =	vcmask $0x2F2C;
	v1 =	vlaneseq.u32;
	vm2 =	vcmask $0x3330  }
0x6: {  	vm1 =	vcmask $0x3734;
	vm0 =	vcmask $0x3B38;
	v3 =	vimm.s32 $0x3380  }
0x7: {  	v4 =	vimm.s32 $0x5380;
	v5 =	vimm.s32 $0x7380;
	v0 =	vsel vm14, $0x0, v0  }
0x8: {  	v3 =	vsel vm14, $0x2000, v3;
	v4 =	vsel vm14, $0x4000, v4;
	v5 =	vsel vm14, $0x6000, v5  }
0x9: {  	v0 =	vsel vm13, $0x80, v0;
	v3 =	vsel vm13, $0x2080, v3;
	v4 =	vsel vm13, $0x4080, v4  }
0xa: {  	v5 =	vsel vm13, $0x6080, v5;
	v0 =	vsel vm12, $0x100, v0;
	v3 =	vsel vm12, $0x2100, v3  }
0xb: {  	v4 =	vsel vm12, $0x4100, v4;
	v5 =	vsel vm12, $0x6100, v5;
	v0 =	vsel vm11, $0x180, v0  }
0xc: {  	s0 =	rddreg [dreg:$0x0];
	v3 =	vsel vm11, $0x2180, v3;
	v4 =	vsel vm11, $0x4180, v4;
	v5 =	vsel vm11, $0x6180, v5  }
0xd: {  	s1 =	rddreg [dreg:$0x1];
	v0 =	vsel vm10, $0x200, v0;
	v3 =	vsel vm10, $0x2200, v3;
	v4 =	vsel vm10, $0x4200, v4  }
0xe: {  	s2 =	rddreg [dreg:$0x2];
	s3 =	srdreg.scid;
	v5 =	vsel vm10, $0x6200, v5;
	v0 =	vsel vm9, $0x280, v0;
	v3 =	vsel vm9, $0x2280, v3  }
0xf: {  	s6 =	simm.s32 $0x0;
	s5 =	stileid.u32;
	s9 =	simm.s32 $0x7A1400;
	v4 =	vsel vm9, $0x4280, v4;
	v5 =	vsel vm9, $0x6280, v5;
	v0 =	vsel vm8, $0x300, v0  }
0x10: {  	s8 =	simm.s32 $0x400;
	s10 =	simm.s32 $0x8200;
	s11 =	simm.s32 $0xA200;
	v3 =	vsel vm8, $0x2300, v3;
	v4 =	vsel vm8, $0x4300, v4;
	v5 =	vsel vm8, $0x6300, v5  }
0x11: {  	s12 =	simm.s32 $0xC200;
	s13 =	simm.s32 $0xE200;
	s14 =	simm.s32 $0x10200;
	v0 =	vsel vm7, $0x380, v0;
	v3 =	vsel vm7, $0x2380, v3;
	v4 =	vsel vm7, $0x4380, v4  }
0x12: {  	s15 =	simm.s32 $0x12200;
	s16 =	simm.s32 $0x14200;
	s17 =	simm.s32 $0x16200;
	v5 =	vsel vm7, $0x6380, v5;
	v0 =	vsel vm6, $0x1000, v0;
	v3 =	vsel vm6, $0x3000, v3  }
0x13: {  	s18 =	simm.s32 $0x18200;
	s19 =	simm.s32 $0x1A200;
	s20 =	simm.s32 $0x1;
	v4 =	vsel vm6, $0x5000, v4;
	v5 =	vsel vm6, $0x7000, v5;
	v0 =	vsel vm5, $0x1080, v0  }
0x14: {  	s21 =	simm.s32 $0x200;
	s22 =	simm.s32 $0x2;
	s23 =	simm.s32 $0x3;
	v3 =	vsel vm5, $0x3080, v3;
	v4 =	vsel vm5, $0x5080, v4;
	v5 =	vsel vm5, $0x7080, v5  }
0x15: {  	s28 =	simm.s32 $0x7;
	s29 =	simm.s32 $0x8;
	s30 =	simm.s32 $0x9;
	v0 =	vsel vm4, $0x1100, v0;
	v3 =	vsel vm4, $0x3100, v3;
	v4 =	vsel vm4, $0x5100, v4  }
0x16: {  	s31 =	simm.s32 $0xA;
	s3 =	sand.u32 $0x1, s3;
	s5 =	sshll.u32 s5, $0xA;
	v5 =	vsel vm4, $0x7100, v5;
	v2 =	vsel vm3, $0x1180, v0;
	v0 =	vmul.u32 $0x80, v1  }
0x17: {  	[smem:$0x7FF] =	sst s6;
	s4 =	ssub.s32 $0x2, s3;
	s3 =	sshll.u32 s3, $0x9;
	v3 =	vsel vm3, $0x3180, v3;
	v4 =	vsel vm3, $0x5180, v4;
	v5 =	vsel vm3, $0x7180, v5  }
0x18: {  	s6 =	simm.s32 $0xB;
	s24 =	sshrl.u32 s4, $0x1;
	s3 =	sor.u32 s3, s5;
	v1 =	vsel vm2, $0x1200, v2;
	v3 =	vsel vm2, $0x3200, v3;
	v6 =	vsel vm2, $0x5200, v4  }
0x19: {  	_ =	strace $0x80000047;
	s7 =	ssub.s32 s4, s24;
	s25 =	sshrl.u32 s3, $0x3;
	v5 =	vsel vm2, $0x7200, v5;
	v1 =	vsel vm1, $0x1280, v1;
	v2 =	vor.u32 $0x800, v0  }
0x1a: {  	s26 =	sadd.s32 s2, s3;
	s24 =	simm.s32 $0x4;
	s3 =	simm.s32 $0x0;
	v3 =	vsel vm1, $0x3280, v3;
	v4 =	vor.u32 $0x1000, v0;
	v6 =	vsel vm1, $0x5280, v6  }
0x1b: {  	s1 =	sadd.s32 s1, s25;
	[dreg:$0x5] =	wrdreg s26;
	s7 =	smax.u32 s7, $0x1;
	v7 =	vsel vm1, $0x7280, v5;
	v1 =	vsel vm0, $0x1300, v1;
	v3 =	vsel vm0, $0x3300, v3  }
0x1c: {  	s25 =	simm.s32 $0x5;
	s26 =	simm.s32 $0x6;
	[dreg:$0x4] =	wrdreg s1;
	v5 =	vsel vm0, $0x5300, v6;
	v6 =	vor.u32 $0x1800, v0;
	v7 =	vsel vm0, $0x7300, v7  }
.LBB2_1:
0x1d: {  	s1 =	simm.s32 $0x0;
	s2 =	rddreg [dreg:$0x4]  }
0x1e: {  	[tilespmem:s1], [sflag:$0xB] =	stream.linear.gather [hbm4b:s2+s1], $0x200, $0x38;
	[tilespmem:$0x1C200] =	vst v63  }
0x1f: {  	_ =	swait.ge [sflag:s6], $0x200  }
0x20: {  	[sflag:s6] =	ssyncset.done $0x0  }
0x21: {  	s1 =	simm.s32 $0xF;
	s2 =	simm.s32 $0x0;
	[sflag:s6] =	ssyncadd.s32 $0xFFFFFE00  }
.LBB2_2:
0x22: {  	v8 =	vld [tilespmem:s2+$0x0];
	_ =	sdelay $0x4  }
0x23: {  	v9 =	vshrl.u32 v8, $0x7  }
0x24: {  	v9 =	vshll.u32 v9, $0x7  }
0x25: {  	(v2sf) =	vpush v9, $0x0;
	_ =	sdelay $0x3  }
0x26: {  	(v2sf) =	vpush v9, $0x1;
	_ =	sdelay $0x2  }
0x27: {  	(v2sf) =	vpush v9, $0x2;
	_ =	sdelay $0x2  }
0x28: {  	(v2sf) =	vpush v9, $0x3;
	_ =	sdelay $0x4  }
0x29: {  	s4 =	spop (v2sf);
	(v2sf) =	vpush v9, $0x4;
	_ =	sdelay $0x1  }
0x2a: {  	(v2sf) =	vpush v9, $0x5  }
0x2b: {  	s4 =	sand.u32 $0x1FFFFF80, s4  }
0x2c: {  	s5 =	spop (v2sf);
	s4 =	sadd.s32 s0, s4  }
0x2d: {  	(v2sf) =	vpush v9, $0x6;
	[tilespmem:s10], [sflag:$0x1] =	stream.strided.gather [hbm4b:s4+s8], $0x2000, s9, s8, $0x38;
	[tilespmem:$0x1C200] =	vst v63  }
0x2e: {  	s4 =	sand.u32 $0x1FFFFF80, s5  }
0x2f: {  	s5 =	spop (v2sf);
	s4 =	sadd.s32 s0, s4  }
0x30: {  	(v2sf) =	vpush v9, $0x7;
	[tilespmem:s11], [sflag:$0x2] =	stream.strided.gather [hbm4b:s4+s8], $0x2000, s9, s8, $0x38;
	[tilespmem:$0x1C200] =	vst v63  }
0x31: {  	s4 =	sand.u32 $0x1FFFFF80, s5  }
0x32: {  	s5 =	spop (v2sf);
	(v2sf) =	vpush v9, $0x8;
	s4 =	sadd.s32 s0, s4  }
0x33: {  	[tilespmem:s12], [sflag:$0x3] =	stream.strided.gather [hbm4b:s4+s8], $0x2000, s9, s8, $0x38;
	[tilespmem:$0x1C200] =	vst v63  }
0x34: {  	s4 =	sand.u32 $0x1FFFFF80, s5  }
0x35: {  	s4 =	sadd.s32 s0, s4  }
0x36: {  	[tilespmem:s13], [sflag:$0x4] =	stream.strided.gather [hbm4b:s4+s8], $0x2000, s9, s8, $0x38;
	[tilespmem:$0x1C200] =	vst v63  }
0x37: {  	s5 =	spop (v2sf);
	(v2sf) =	vpush v9, $0x9  }
0x38: {  	s4 =	sand.u32 $0x1FFFFF80, s5  }
0x39: {  	s5 =	spop (v2sf);
	s4 =	sadd.s32 s0, s4  }
0x3a: {  	[tilespmem:s14], [sflag:$0x5] =	stream.strided.gather [hbm4b:s4+s8], $0x2000, s9, s8, $0x38;
	[tilespmem:$0x1C200] =	vst v63  }
0x3b: {  	s4 =	sand.u32 $0x1FFFFF80, s5  }
0x3c: {  	s5 =	spop (v2sf);
	s4 =	sadd.s32 s0, s4  }
0x3d: {  	[tilespmem:s15], [sflag:$0x6] =	stream.strided.gather [hbm4b:s4+s8], $0x2000, s9, s8, $0x38;
	[tilespmem:$0x1C200] =	vst v63  }
0x3e: {  	s4 =	sand.u32 $0x1FFFFF80, s5  }
0x3f: {  	s5 =	spop (v2sf);
	s4 =	sadd.s32 s0, s4  }
0x40: {  	[tilespmem:s16], [sflag:$0x7] =	stream.strided.gather [hbm4b:s4+s8], $0x2000, s9, s8, $0x38;
	[tilespmem:$0x1C200] =	vst v63  }
0x41: {  	s4 =	sand.u32 $0x1FFFFF80, s5;
	s5 =	spop (v2sf)  }
0x42: {  	s4 =	sadd.s32 s0, s4;
	s5 =	sand.u32 $0x1FFFFF80, s5  }
0x43: {  	[tilespmem:s17], [sflag:$0x8] =	stream.strided.gather [hbm4b:s4+s8], $0x2000, s9, s8, $0x38;
	[tilespmem:$0x1C200] =	vst v63  }
0x44: {  	s4 =	sadd.s32 s0, s5  }
0x45: {  	v8 =	vand.u32 $0x7F, v8;
	[tilespmem:s18], [sflag:$0x9] =	stream.strided.gather [hbm4b:s4+s8], $0x2000, s9, s8, $0x38;
	[tilespmem:$0x1C200] =	vst v63  }
0x46: {  	v10 =	vbroadcast v8, $0x0;
	s5 =	spop (v2sf)  }
0x47: {  	s4 =	sand.u32 $0x1FFFFF80, s5  }
0x48: {  	v11 =	vor.u32 v0, v10;
	s5 =	sadd.s32 $0xFFFFFFF1, s1;
	s4 =	sadd.s32 s0, s4  }
0x49: {  	v12 =	vmov s5;
	[tilespmem:s19], [sflag:$0xA] =	stream.strided.gather [hbm4b:s4+s8], $0x2000, s9, s8, $0x38;
	[tilespmem:$0x1C200] =	vst v63  }
0x4a: {  	v13 =	vshll.u32 v12, $0x3;
	_ =	swait.ge [sflag:s20], $0x2000  }
0x4b: {  	v12 =	vand.u32 $0x70, v12;
	v13 =	vand.u32 $0xC00, v13;
	[sflag:s20] =	ssyncset.done $0x0  }
0x4c: {  	v12 =	vor.u32 v12, v13;
	[sflag:s20] =	ssyncadd.s32 $0xFFFFE000  }
0x4d: {  	v13 =	vor.u32 v1, v12;
	v11 =	vld.idx.msk [tilespmem:v11+s10+$0x0], $0xffff  }
0x4e: {  	v14 =	vor.u32 v2, v10;
	_ =	sdelay $0x3  }
0x4f: {  	[tilespmem:v13+s21+$0x0] =	vst.idx.msk $0xffff, v11  }
0x50: {  	(v2sf) =	vpush v9, $0xA;
	v17 =	vor.u32 v3, v12;
	v11 =	vld.idx.msk [tilespmem:v14+s10+$0x0], $0xffff  }
0x51: {  	v18 =	vor.u32 v4, v10;
	_ =	sdelay $0x3  }
0x52: {  	[tilespmem:v17+s21+$0x0] =	vst.idx.msk $0xffff, v11  }
0x53: {  	v19 =	vor.u32 v5, v12;
	v11 =	vld.idx.msk [tilespmem:v18+s10+$0x0], $0xffff  }
0x54: {  	v10 =	vor.u32 v6, v10;
	_ =	sdelay $0x3  }
0x55: {  	[tilespmem:v19+s21+$0x0] =	vst.idx.msk $0xffff, v11  }
0x56: {  	v20 =	vor.u32 v7, v12;
	v10 =	vld.idx.msk [tilespmem:v10+s10+$0x0], $0xffff;
	_ =	sdelay $0x2  }
0x57: {  	v21 =	vbroadcast v8, $0x1;
	s5 =	spop (v2sf)  }
0x58: {  	s4 =	sand.u32 $0x1FFFFF80, s5  }
0x59: {  	v22 =	vor.u32 v0, v21;
	s5 =	sadd.s32 $0xFFFFFFF2, s1;
	s4 =	sadd.s32 s0, s4;
	[tilespmem:v20+s21+$0x0] =	vst.idx.msk $0xffff, v10  }
0x5a: {  	v23 =	vmov s5;
	[tilespmem:s10], [sflag:$0x1] =	stream.strided.gather [hbm4b:s4+s8], $0x2000, s9, s8, $0x38;
	[tilespmem:$0x1C200] =	vst v63  }
0x5b: {  	v24 =	vshll.u32 v23, $0x3;
	_ =	swait.ge [sflag:s22], $0x2000  }
0x5c: {  	v11 =	vand.u32 $0x71, v23;
	v13 =	vand.u32 $0xC00, v24;
	[sflag:s22] =	ssyncset.done $0x0  }
0x5d: {  	v11 =	vor.u32 v11, v13;
	[sflag:s22] =	ssyncadd.s32 $0xFFFFE000  }
0x5e: {  	v13 =	vor.u32 v1, v11;
	v10 =	vld.idx.msk [tilespmem:v22+s11+$0x0], $0xffff  }
0x5f: {  	v25 =	vor.u32 v2, v21;
	_ =	sdelay $0x3  }
0x60: {  	[tilespmem:v13+s21+$0x0] =	vst.idx.msk $0xffff, v10  }
0x61: {  	v26 =	vor.u32 v3, v11;
	(v2sf) =	vpush v9, $0xB;
	v10 =	vld.idx.msk [tilespmem:v25+s11+$0x0], $0xffff  }
0x62: {  	v27 =	vor.u32 v4, v21;
	_ =	sdelay $0x3  }
0x63: {  	[tilespmem:v26+s21+$0x0] =	vst.idx.msk $0xffff, v10  }
0x64: {  	v28 =	vor.u32 v5, v11;
	v10 =	vld.idx.msk [tilespmem:v27+s11+$0x0], $0xffff  }
0x65: {  	v12 =	vor.u32 v6, v21;
	_ =	sdelay $0x3  }
0x66: {  	[tilespmem:v28+s21+$0x0] =	vst.idx.msk $0xffff, v10  }
0x67: {  	v11 =	vor.u32 v7, v11;
	v10 =	vld.idx.msk [tilespmem:v12+s11+$0x0], $0xffff;
	_ =	sdelay $0x2  }
0x68: {  	v29 =	vbroadcast v8, $0x2;
	s5 =	spop (v2sf)  }
0x69: {  	s4 =	sand.u32 $0x1FFFFF80, s5  }
0x6a: {  	v30 =	vor.u32 v0, v29;
	s5 =	sadd.s32 $0xFFFFFFF3, s1;
	s4 =	sadd.s32 s0, s4;
	[tilespmem:v11+s21+$0x0] =	vst.idx.msk $0xffff, v10  }
0x6b: {  	v31 =	vmov s5;
	[tilespmem:s11], [sflag:$0x2] =	stream.strided.gather [hbm4b:s4+s8], $0x2000, s9, s8, $0x38;
	[tilespmem:$0x1C200] =	vst v63  }
0x6c: {  	v32 =	vshll.u32 v31, $0x3;
	_ =	swait.ge [sflag:s23], $0x2000  }
0x6d: {  	v13 =	vand.u32 $0xC00, v32;
	v11 =	vand.u32 $0x72, v31;
	[sflag:s23] =	ssyncset.done $0x0  }
0x6e: {  	v11 =	vor.u32 v11, v13;
	[sflag:s23] =	ssyncadd.s32 $0xFFFFE000  }
0x6f: {  	v13 =	vor.u32 v1, v11;
	v10 =	vld.idx.msk [tilespmem:v30+s12+$0x0], $0xffff  }
0x70: {  	v33 =	vor.u32 v2, v29;
	_ =	sdelay $0x3  }
0x71: {  	[tilespmem:v13+s21+$0x0] =	vst.idx.msk $0xffff, v10  }
0x72: {  	v34 =	vor.u32 v3, v11;
	(v2sf) =	vpush v9, $0xC;
	v10 =	vld.idx.msk [tilespmem:v33+s12+$0x0], $0xffff  }
0x73: {  	v35 =	vor.u32 v4, v29;
	_ =	sdelay $0x3  }
0x74: {  	[tilespmem:v34+s21+$0x0] =	vst.idx.msk $0xffff, v10  }
0x75: {  	v36 =	vor.u32 v5, v11;
	v10 =	vld.idx.msk [tilespmem:v35+s12+$0x0], $0xffff  }
0x76: {  	v12 =	vor.u32 v6, v29;
	_ =	sdelay $0x3  }
0x77: {  	[tilespmem:v36+s21+$0x0] =	vst.idx.msk $0xffff, v10  }
0x78: {  	v11 =	vor.u32 v7, v11;
	v10 =	vld.idx.msk [tilespmem:v12+s12+$0x0], $0xffff;
	_ =	sdelay $0x2  }
0x79: {  	v37 =	vbroadcast v8, $0x3;
	s5 =	spop (v2sf)  }
0x7a: {  	s4 =	sand.u32 $0x1FFFFF80, s5  }
0x7b: {  	v38 =	vor.u32 v0, v37;
	s5 =	sadd.s32 $0xFFFFFFF4, s1;
	s4 =	sadd.s32 s0, s4;
	[tilespmem:v11+s21+$0x0] =	vst.idx.msk $0xffff, v10  }
0x7c: {  	v39 =	vmov s5;
	[tilespmem:s12], [sflag:$0x3] =	stream.strided.gather [hbm4b:s4+s8], $0x2000, s9, s8, $0x38;
	[tilespmem:$0x1C200] =	vst v63  }
0x7d: {  	v40 =	vshll.u32 v39, $0x3;
	_ =	swait.ge [sflag:s24], $0x2000  }
0x7e: {  	v13 =	vand.u32 $0xC00, v40;
	v11 =	vand.u32 $0x73, v39;
	[sflag:s24] =	ssyncset.done $0x0  }
0x7f: {  	v11 =	vor.u32 v11, v13;
	[sflag:s24] =	ssyncadd.s32 $0xFFFFE000  }
0x80: {  	v13 =	vor.u32 v1, v11;
	v10 =	vld.idx.msk [tilespmem:v38+s13+$0x0], $0xffff  }
0x81: {  	v41 =	vor.u32 v2, v37;
	_ =	sdelay $0x3  }
0x82: {  	[tilespmem:v13+s21+$0x0] =	vst.idx.msk $0xffff, v10  }
0x83: {  	v42 =	vor.u32 v3, v11;
	(v2sf) =	vpush v9, $0xD;
	v10 =	vld.idx.msk [tilespmem:v41+s13+$0x0], $0xffff  }
0x84: {  	v43 =	vor.u32 v4, v37;
	_ =	sdelay $0x3  }
0x85: {  	[tilespmem:v42+s21+$0x0] =	vst.idx.msk $0xffff, v10  }
0x86: {  	v44 =	vor.u32 v5, v11;
	v10 =	vld.idx.msk [tilespmem:v43+s13+$0x0], $0xffff  }
0x87: {  	v12 =	vor.u32 v6, v37;
	_ =	sdelay $0x3  }
0x88: {  	[tilespmem:v44+s21+$0x0] =	vst.idx.msk $0xffff, v10  }
0x89: {  	v11 =	vor.u32 v7, v11;
	v10 =	vld.idx.msk [tilespmem:v12+s13+$0x0], $0xffff;
	_ =	sdelay $0x2  }
0x8a: {  	v45 =	vbroadcast v8, $0x4;
	s5 =	spop (v2sf)  }
0x8b: {  	s4 =	sand.u32 $0x1FFFFF80, s5  }
0x8c: {  	v46 =	vor.u32 v0, v45;
	s5 =	sadd.s32 $0xFFFFFFF5, s1;
	s4 =	sadd.s32 s0, s4;
	[tilespmem:v11+s21+$0x0] =	vst.idx.msk $0xffff, v10  }
0x8d: {  	v47 =	vmov s5;
	[tilespmem:s13], [sflag:$0x4] =	stream.strided.gather [hbm4b:s4+s8], $0x2000, s9, s8, $0x38;
	[tilespmem:$0x1C200] =	vst v63  }
0x8e: {  	v48 =	vshll.u32 v47, $0x3;
	_ =	swait.ge [sflag:s25], $0x2000  }
0x8f: {  	v13 =	vand.u32 $0xC00, v48;
	v11 =	vand.u32 $0x74, v47;
	[sflag:s25] =	ssyncset.done $0x0  }
0x90: {  	v11 =	vor.u32 v11, v13;
	[sflag:s25] =	ssyncadd.s32 $0xFFFFE000  }
0x91: {  	v13 =	vor.u32 v1, v11;
	v10 =	vld.idx.msk [tilespmem:v46+s14+$0x0], $0xffff  }
0x92: {  	v49 =	vor.u32 v2, v45;
	_ =	sdelay $0x3  }
0x93: {  	[tilespmem:v13+s21+$0x0] =	vst.idx.msk $0xffff, v10  }
0x94: {  	v50 =	vor.u32 v3, v11;
	(v2sf) =	vpush v9, $0xE;
	v10 =	vld.idx.msk [tilespmem:v49+s14+$0x0], $0xffff  }
0x95: {  	v51 =	vor.u32 v4, v45;
	_ =	sdelay $0x3  }
0x96: {  	[tilespmem:v50+s21+$0x0] =	vst.idx.msk $0xffff, v10  }
0x97: {  	v52 =	vor.u32 v5, v11;
	v10 =	vld.idx.msk [tilespmem:v51+s14+$0x0], $0xffff  }
0x98: {  	v12 =	vor.u32 v6, v45;
	_ =	sdelay $0x3  }
0x99: {  	[tilespmem:v52+s21+$0x0] =	vst.idx.msk $0xffff, v10  }
0x9a: {  	v11 =	vor.u32 v7, v11;
	v10 =	vld.idx.msk [tilespmem:v12+s14+$0x0], $0xffff;
	_ =	sdelay $0x2  }
0x9b: {  	v53 =	vbroadcast v8, $0x5;
	s5 =	spop (v2sf)  }
0x9c: {  	s4 =	sand.u32 $0x1FFFFF80, s5  }
0x9d: {  	v54 =	vor.u32 v0, v53;
	s5 =	sadd.s32 $0xFFFFFFF6, s1;
	s4 =	sadd.s32 s0, s4;
	[tilespmem:v11+s21+$0x0] =	vst.idx.msk $0xffff, v10  }
0x9e: {  	v55 =	vmov s5;
	[tilespmem:s14], [sflag:$0x5] =	stream.strided.gather [hbm4b:s4+s8], $0x2000, s9, s8, $0x38;
	[tilespmem:$0x1C200] =	vst v63  }
0x9f: {  	v56 =	vshll.u32 v55, $0x3;
	_ =	swait.ge [sflag:s26], $0x2000  }
0xa0: {  	v13 =	vand.u32 $0xC00, v56;
	v11 =	vand.u32 $0x75, v55;
	[sflag:s26] =	ssyncset.done $0x0  }
0xa1: {  	v11 =	vor.u32 v11, v13;
	[sflag:s26] =	ssyncadd.s32 $0xFFFFE000  }
0xa2: {  	v13 =	vor.u32 v1, v11;
	v10 =	vld.idx.msk [tilespmem:v54+s15+$0x0], $0xffff  }
0xa3: {  	v57 =	vor.u32 v2, v53;
	_ =	sdelay $0x3  }
0xa4: {  	[tilespmem:v13+s21+$0x0] =	vst.idx.msk $0xffff, v10  }
0xa5: {  	v58 =	vor.u32 v3, v11;
	(v2sf) =	vpush v9, $0xF;
	v10 =	vld.idx.msk [tilespmem:v57+s15+$0x0], $0xffff  }
0xa6: {  	v59 =	vor.u32 v4, v53;
	_ =	sdelay $0x3  }
0xa7: {  	[tilespmem:v58+s21+$0x0] =	vst.idx.msk $0xffff, v10  }
0xa8: {  	v60 =	vor.u32 v5, v11;
	v9 =	vld.idx.msk [tilespmem:v59+s15+$0x0], $0xffff  }
0xa9: {  	v12 =	vor.u32 v6, v53;
	_ =	sdelay $0x3  }
0xaa: {  	[tilespmem:v60+s21+$0x0] =	vst.idx.msk $0xffff, v9  }
0xab: {  	v61 =	vor.u32 v7, v11;
	v9 =	vld.idx.msk [tilespmem:v12+s15+$0x0], $0xffff;
	_ =	sdelay $0x2  }
0xac: {  	v62 =	vbroadcast v8, $0x6;
	s5 =	spop (v2sf)  }
0xad: {  	s4 =	sand.u32 $0x1FFFFF80, s5  }
0xae: {  	v63 =	vor.u32 v0, v62;
	s5 =	sadd.s32 $0xFFFFFFF7, s1;
	s4 =	sadd.s32 s0, s4;
	[tilespmem:v61+s21+$0x0] =	vst.idx.msk $0xffff, v9  }
0xaf: {  	v16 =	vmov s5;
	[tilespmem:s15], [sflag:$0x6] =	stream.strided.gather [hbm4b:s4+s8], $0x2000, s9, s8, $0x38;
	[tilespmem:$0x1C200] =	vst v63  }
0xb0: {  	v17 =	vshll.u32 v16, $0x3;
	_ =	swait.ge [sflag:s28], $0x2000  }
0xb1: {  	v10 =	vand.u32 $0x76, v16;
	v12 =	vand.u32 $0xC00, v17;
	[sflag:s28] =	ssyncset.done $0x0  }
0xb2: {  	v10 =	vor.u32 v10, v12;
	[sflag:s28] =	ssyncadd.s32 $0xFFFFE000  }
0xb3: {  	v12 =	vor.u32 v1, v10;
	v9 =	vld.idx.msk [tilespmem:v63+s16+$0x0], $0xffff  }
0xb4: {  	v18 =	vor.u32 v2, v62;
	_ =	sdelay $0x3  }
0xb5: {  	[tilespmem:v12+s21+$0x0] =	vst.idx.msk $0xffff, v9  }
0xb6: {  	v19 =	vor.u32 v3, v10;
	v9 =	vld.idx.msk [tilespmem:v18+s16+$0x0], $0xffff  }
0xb7: {  	v20 =	vor.u32 v4, v62;
	_ =	sdelay $0x3  }
0xb8: {  	[tilespmem:v19+s21+$0x0] =	vst.idx.msk $0xffff, v9  }
0xb9: {  	v21 =	vor.u32 v5, v10;
	v9 =	vld.idx.msk [tilespmem:v20+s16+$0x0], $0xffff  }
0xba: {  	v11 =	vor.u32 v6, v62;
	_ =	sdelay $0x3  }
0xbb: {  	[tilespmem:v21+s21+$0x0] =	vst.idx.msk $0xffff, v9  }
0xbc: {  	v10 =	vor.u32 v7, v10;
	v9 =	vld.idx.msk [tilespmem:v11+s16+$0x0], $0xffff;
	_ =	sdelay $0x1  }
0xbd: {  	v22 =	vbroadcast v8, $0x7;
	_ =	sdelay $0x1  }
0xbe: {  	v23 =	vor.u32 v0, v22;
	s5 =	sadd.s32 $0xFFFFFFF8, s1  }
0xbf: {  	v24 =	vmov s5;
	[tilespmem:v10+s21+$0x0] =	vst.idx.msk $0xffff, v9  }
0xc0: {  	v25 =	vshll.u32 v24, $0x3;
	_ =	swait.ge [sflag:s29], $0x2000  }
0xc1: {  	v9 =	vand.u32 $0x77, v24;
	v10 =	vand.u32 $0xC00, v25;
	[sflag:s29] =	ssyncset.done $0x0  }
0xc2: {  	v9 =	vor.u32 v9, v10;
	[sflag:s29] =	ssyncadd.s32 $0xFFFFE000  }
0xc3: {  	v27 =	vor.u32 v1, v9;
	v26 =	vld.idx.msk [tilespmem:v23+s17+$0x0], $0xffff  }
0xc4: {  	v28 =	vor.u32 v2, v22;
	_ =	sdelay $0x3  }
0xc5: {  	[tilespmem:v27+s21+$0x0] =	vst.idx.msk $0xffff, v26  }
0xc6: {  	v29 =	vor.u32 v3, v9;
	v10 =	vld.idx.msk [tilespmem:v28+s17+$0x0], $0xffff  }
0xc7: {  	v30 =	vor.u32 v4, v22;
	_ =	sdelay $0x3  }
0xc8: {  	[tilespmem:v29+s21+$0x0] =	vst.idx.msk $0xffff, v10  }
0xc9: {  	v31 =	vor.u32 v5, v9;
	v10 =	vld.idx.msk [tilespmem:v30+s17+$0x0], $0xffff  }
0xca: {  	v11 =	vor.u32 v6, v22;
	_ =	sdelay $0x3  }
0xcb: {  	[tilespmem:v31+s21+$0x0] =	vst.idx.msk $0xffff, v10  }
0xcc: {  	v9 =	vor.u32 v7, v9;
	v10 =	vld.idx.msk [tilespmem:v11+s17+$0x0], $0xffff;
	_ =	sdelay $0x1  }
0xcd: {  	v32 =	vbroadcast v8, $0x8;
	_ =	sdelay $0x1  }
0xce: {  	v33 =	vor.u32 v0, v32;
	s5 =	sadd.s32 $0xFFFFFFF9, s1  }
0xcf: {  	v34 =	vmov s5;
	[tilespmem:v9+s21+$0x0] =	vst.idx.msk $0xffff, v10  }
0xd0: {  	v35 =	vshll.u32 v34, $0x3;
	_ =	swait.ge [sflag:s30], $0x2000  }
0xd1: {  	v9 =	vand.u32 $0x78, v34;
	v10 =	vand.u32 $0xC00, v35;
	[sflag:s30] =	ssyncset.done $0x0  }
0xd2: {  	v9 =	vor.u32 v9, v10;
	[sflag:s30] =	ssyncadd.s32 $0xFFFFE000  }
0xd3: {  	v37 =	vor.u32 v1, v9;
	v36 =	vld.idx.msk [tilespmem:v33+s18+$0x0], $0xffff  }
0xd4: {  	v38 =	vor.u32 v2, v32;
	_ =	sdelay $0x3  }
0xd5: {  	[tilespmem:v37+s21+$0x0] =	vst.idx.msk $0xffff, v36  }
0xd6: {  	v39 =	vor.u32 v3, v9;
	v10 =	vld.idx.msk [tilespmem:v38+s18+$0x0], $0xffff  }
0xd7: {  	v40 =	vor.u32 v4, v32;
	_ =	sdelay $0x3  }
0xd8: {  	[tilespmem:v39+s21+$0x0] =	vst.idx.msk $0xffff, v10  }
0xd9: {  	v41 =	vor.u32 v5, v9;
	v10 =	vld.idx.msk [tilespmem:v40+s18+$0x0], $0xffff  }
0xda: {  	v11 =	vor.u32 v6, v32;
	_ =	sdelay $0x3  }
0xdb: {  	[tilespmem:v41+s21+$0x0] =	vst.idx.msk $0xffff, v10  }
0xdc: {  	v9 =	vor.u32 v7, v9;
	v10 =	vld.idx.msk [tilespmem:v11+s18+$0x0], $0xffff;
	_ =	sdelay $0x1  }
0xdd: {  	v42 =	vbroadcast v8, $0x9;
	_ =	sdelay $0x1  }
0xde: {  	v43 =	vor.u32 v0, v42;
	s5 =	sadd.s32 $0xFFFFFFFA, s1  }
0xdf: {  	v44 =	vmov s5;
	[tilespmem:v9+s21+$0x0] =	vst.idx.msk $0xffff, v10  }
0xe0: {  	v45 =	vshll.u32 v44, $0x3;
	_ =	swait.ge [sflag:s31], $0x2000  }
0xe1: {  	v9 =	vand.u32 $0x79, v44;
	v10 =	vand.u32 $0xC00, v45;
	[sflag:s31] =	ssyncset.done $0x0  }
0xe2: {  	v9 =	vor.u32 v9, v10;
	[sflag:s31] =	ssyncadd.s32 $0xFFFFE000  }
0xe3: {  	v47 =	vor.u32 v1, v9;
	v46 =	vld.idx.msk [tilespmem:v43+s19+$0x0], $0xffff  }
0xe4: {  	v48 =	vor.u32 v2, v42;
	_ =	sdelay $0x3  }
0xe5: {  	[tilespmem:v47+s21+$0x0] =	vst.idx.msk $0xffff, v46  }
0xe6: {  	v49 =	vor.u32 v3, v9;
	v10 =	vld.idx.msk [tilespmem:v48+s19+$0x0], $0xffff  }
0xe7: {  	v50 =	vor.u32 v4, v42;
	_ =	sdelay $0x3  }
0xe8: {  	[tilespmem:v49+s21+$0x0] =	vst.idx.msk $0xffff, v10  }
0xe9: {  	v51 =	vor.u32 v5, v9;
	v10 =	vld.idx.msk [tilespmem:v50+s19+$0x0], $0xffff  }
0xea: {  	v11 =	vor.u32 v6, v42;
	_ =	sdelay $0x3  }
0xeb: {  	[tilespmem:v51+s21+$0x0] =	vst.idx.msk $0xffff, v10  }
0xec: {  	v9 =	vor.u32 v7, v9;
	v10 =	vld.idx.msk [tilespmem:v11+s19+$0x0], $0xffff;
	_ =	sdelay $0x1  }
0xed: {  	v52 =	vbroadcast v8, $0xA;
	_ =	sdelay $0x1  }
0xee: {  	v53 =	vor.u32 v0, v52;
	s5 =	sadd.s32 $0xFFFFFFFB, s1  }
0xef: {  	v54 =	vmov s5;
	[tilespmem:v9+s21+$0x0] =	vst.idx.msk $0xffff, v10  }
0xf0: {  	v55 =	vshll.u32 v54, $0x3;
	_ =	swait.ge [sflag:s20], $0x2000  }
0xf1: {  	v9 =	vand.u32 $0x7A, v54;
	v10 =	vand.u32 $0xC00, v55;
	[sflag:s20] =	ssyncset.done $0x0  }
0xf2: {  	v9 =	vor.u32 v9, v10;
	[sflag:s20] =	ssyncadd.s32 $0xFFFFE000  }
0xf3: {  	v57 =	vor.u32 v1, v9;
	v56 =	vld.idx.msk [tilespmem:v53+s10+$0x0], $0xffff  }
0xf4: {  	v58 =	vor.u32 v2, v52;
	_ =	sdelay $0x3  }
0xf5: {  	[tilespmem:v57+s21+$0x0] =	vst.idx.msk $0xffff, v56  }
0xf6: {  	v59 =	vor.u32 v3, v9;
	v10 =	vld.idx.msk [tilespmem:v58+s10+$0x0], $0xffff  }
0xf7: {  	v60 =	vor.u32 v4, v52;
	_ =	sdelay $0x3  }
0xf8: {  	[tilespmem:v59+s21+$0x0] =	vst.idx.msk $0xffff, v10  }
0xf9: {  	v61 =	vor.u32 v5, v9;
	v10 =	vld.idx.msk [tilespmem:v60+s10+$0x0], $0xffff  }
0xfa: {  	v11 =	vor.u32 v6, v52;
	_ =	sdelay $0x3  }
0xfb: {  	[tilespmem:v61+s21+$0x0] =	vst.idx.msk $0xffff, v10  }
0xfc: {  	v9 =	vor.u32 v7, v9;
	v10 =	vld.idx.msk [tilespmem:v11+s10+$0x0], $0xffff;
	_ =	sdelay $0x1  }
0xfd: {  	v62 =	vbroadcast v8, $0xB;
	_ =	sdelay $0x1  }
0xfe: {  	s5 =	sadd.s32 $0xFFFFFFFC, s1;
	v63 =	vor.u32 v0, v62  }
0xff: {  	v16 =	vmov s5;
	[tilespmem:v9+s21+$0x0] =	vst.idx.msk $0xffff, v10  }
0x100: {  	v17 =	vshll.u32 v16, $0x3;
	_ =	swait.ge [sflag:s22], $0x2000  }
0x101: {  	v9 =	vand.u32 $0x7B, v16;
	v10 =	vand.u32 $0xC00, v17;
	[sflag:s22] =	ssyncset.done $0x0  }
0x102: {  	v9 =	vor.u32 v9, v10;
	[sflag:s22] =	ssyncadd.s32 $0xFFFFE000  }
0x103: {  	v19 =	vor.u32 v1, v9;
	v18 =	vld.idx.msk [tilespmem:v63+s11+$0x0], $0xffff  }
0x104: {  	v20 =	vor.u32 v2, v62;
	_ =	sdelay $0x3  }
0x105: {  	[tilespmem:v19+s21+$0x0] =	vst.idx.msk $0xffff, v18  }
0x106: {  	v21 =	vor.u32 v3, v9;
	v10 =	vld.idx.msk [tilespmem:v20+s11+$0x0], $0xffff  }
0x107: {  	v22 =	vor.u32 v4, v62;
	_ =	sdelay $0x3  }
0x108: {  	[tilespmem:v21+s21+$0x0] =	vst.idx.msk $0xffff, v10  }
0x109: {  	v23 =	vor.u32 v5, v9;
	v10 =	vld.idx.msk [tilespmem:v22+s11+$0x0], $0xffff  }
0x10a: {  	v11 =	vor.u32 v6, v62;
	_ =	sdelay $0x3  }
0x10b: {  	[tilespmem:v23+s21+$0x0] =	vst.idx.msk $0xffff, v10  }
0x10c: {  	v9 =	vor.u32 v7, v9;
	v10 =	vld.idx.msk [tilespmem:v11+s11+$0x0], $0xffff;
	_ =	sdelay $0x1  }
0x10d: {  	v24 =	vbroadcast v8, $0xC;
	_ =	sdelay $0x1  }
0x10e: {  	s5 =	sadd.s32 $0xFFFFFFFD, s1;
	v25 =	vor.u32 v0, v24  }
0x10f: {  	v26 =	vmov s5;
	[tilespmem:v9+s21+$0x0] =	vst.idx.msk $0xffff, v10  }
0x110: {  	v27 =	vshll.u32 v26, $0x3;
	_ =	swait.ge [sflag:s23], $0x2000  }
0x111: {  	v9 =	vand.u32 $0x7C, v26;
	v10 =	vand.u32 $0xC00, v27;
	[sflag:s23] =	ssyncset.done $0x0  }
0x112: {  	v9 =	vor.u32 v9, v10;
	[sflag:s23] =	ssyncadd.s32 $0xFFFFE000  }
0x113: {  	v29 =	vor.u32 v1, v9;
	v28 =	vld.idx.msk [tilespmem:v25+s12+$0x0], $0xffff  }
0x114: {  	v30 =	vor.u32 v2, v24;
	_ =	sdelay $0x3  }
0x115: {  	[tilespmem:v29+s21+$0x0] =	vst.idx.msk $0xffff, v28  }
0x116: {  	v31 =	vor.u32 v3, v9;
	v10 =	vld.idx.msk [tilespmem:v30+s12+$0x0], $0xffff  }
0x117: {  	v32 =	vor.u32 v4, v24;
	_ =	sdelay $0x3  }
0x118: {  	[tilespmem:v31+s21+$0x0] =	vst.idx.msk $0xffff, v10  }
0x119: {  	v33 =	vor.u32 v5, v9;
	v10 =	vld.idx.msk [tilespmem:v32+s12+$0x0], $0xffff  }
0x11a: {  	v11 =	vor.u32 v6, v24;
	_ =	sdelay $0x3  }
0x11b: {  	[tilespmem:v33+s21+$0x0] =	vst.idx.msk $0xffff, v10  }
0x11c: {  	v9 =	vor.u32 v7, v9;
	v10 =	vld.idx.msk [tilespmem:v11+s12+$0x0], $0xffff;
	_ =	sdelay $0x1  }
0x11d: {  	v34 =	vbroadcast v8, $0xD;
	_ =	sdelay $0x1  }
0x11e: {  	s5 =	sadd.s32 $0xFFFFFFFE, s1;
	v35 =	vor.u32 v0, v34  }
0x11f: {  	v36 =	vmov s5;
	[tilespmem:v9+s21+$0x0] =	vst.idx.msk $0xffff, v10  }
0x120: {  	v37 =	vshll.u32 v36, $0x3;
	_ =	swait.ge [sflag:s24], $0x2000  }
0x121: {  	v9 =	vand.u32 $0x7D, v36;
	v10 =	vand.u32 $0xC00, v37;
	[sflag:s24] =	ssyncset.done $0x0  }
0x122: {  	v9 =	vor.u32 v9, v10;
	[sflag:s24] =	ssyncadd.s32 $0xFFFFE000  }
0x123: {  	v39 =	vor.u32 v1, v9;
	v38 =	vld.idx.msk [tilespmem:v35+s13+$0x0], $0xffff  }
0x124: {  	v40 =	vor.u32 v2, v34;
	_ =	sdelay $0x3  }
0x125: {  	[tilespmem:v39+s21+$0x0] =	vst.idx.msk $0xffff, v38  }
0x126: {  	v41 =	vor.u32 v3, v9;
	v10 =	vld.idx.msk [tilespmem:v40+s13+$0x0], $0xffff  }
0x127: {  	v42 =	vor.u32 v4, v34;
	_ =	sdelay $0x3  }
0x128: {  	[tilespmem:v41+s21+$0x0] =	vst.idx.msk $0xffff, v10  }
0x129: {  	v43 =	vor.u32 v5, v9;
	v10 =	vld.idx.msk [tilespmem:v42+s13+$0x0], $0xffff  }
0x12a: {  	v11 =	vor.u32 v6, v34;
	_ =	sdelay $0x3  }
0x12b: {  	[tilespmem:v43+s21+$0x0] =	vst.idx.msk $0xffff, v10  }
0x12c: {  	v9 =	vor.u32 v7, v9;
	v10 =	vld.idx.msk [tilespmem:v11+s13+$0x0], $0xffff;
	_ =	sdelay $0x1  }
0x12d: {  	v44 =	vbroadcast v8, $0xE;
	_ =	sdelay $0x1  }
0x12e: {  	s5 =	sadd.s32 $0xFFFFFFFF, s1;
	v45 =	vor.u32 v0, v44  }
0x12f: {  	v46 =	vmov s5;
	[tilespmem:v9+s21+$0x0] =	vst.idx.msk $0xffff, v10  }
0x130: {  	v47 =	vshll.u32 v46, $0x3;
	_ =	swait.ge [sflag:s25], $0x2000  }
0x131: {  	v48 =	vand.u32 $0x7E, v46;
	v9 =	vand.u32 $0xC00, v47;
	[sflag:s25] =	ssyncset.done $0x0  }
0x132: {  	v9 =	vor.u32 v48, v9;
	[sflag:s25] =	ssyncadd.s32 $0xFFFFE000  }
0x133: {  	v50 =	vor.u32 v1, v9;
	v49 =	vld.idx.msk [tilespmem:v45+s14+$0x0], $0xffff  }
0x134: {  	v51 =	vor.u32 v2, v44;
	_ =	sdelay $0x3  }
0x135: {  	[tilespmem:v50+s21+$0x0] =	vst.idx.msk $0xffff, v49  }
0x136: {  	v52 =	vor.u32 v3, v9;
	v10 =	vld.idx.msk [tilespmem:v51+s14+$0x0], $0xffff  }
0x137: {  	v53 =	vor.u32 v4, v44;
	_ =	sdelay $0x3  }
0x138: {  	[tilespmem:v52+s21+$0x0] =	vst.idx.msk $0xffff, v10  }
0x139: {  	v54 =	vor.u32 v5, v9;
	v10 =	vld.idx.msk [tilespmem:v53+s14+$0x0], $0xffff  }
0x13a: {  	v11 =	vor.u32 v6, v44;
	_ =	sdelay $0x3  }
0x13b: {  	[tilespmem:v54+s21+$0x0] =	vst.idx.msk $0xffff, v10  }
0x13c: {  	v9 =	vor.u32 v7, v9;
	v10 =	vld.idx.msk [tilespmem:v11+s14+$0x0], $0xffff;
	_ =	sdelay $0x1  }
0x13d: {  	v8 =	vbroadcast v8, $0xF;
	_ =	sdelay $0x1  }
0x13e: {  	v55 =	vor.u32 v0, v8  }
0x13f: {  	v56 =	vmov s1;
	[tilespmem:v9+s21+$0x0] =	vst.idx.msk $0xffff, v10  }
0x140: {  	v57 =	vshll.u32 v56, $0x3;
	_ =	swait.ge [sflag:s26], $0x2000  }
0x141: {  	v9 =	vand.u32 $0x7F, v56;
	v10 =	vand.u32 $0xC00, v57;
	[sflag:s26] =	ssyncset.done $0x0  }
0x142: {  	v9 =	vor.u32 v9, v10;
	[sflag:s26] =	ssyncadd.s32 $0xFFFFE000  }
0x143: {  	v59 =	vor.u32 v1, v9;
	v58 =	vld.idx.msk [tilespmem:v55+s15+$0x0], $0xffff  }
0x144: {  	v60 =	vor.u32 v2, v8;
	_ =	sdelay $0x3  }
0x145: {  	[tilespmem:v59+s21+$0x0] =	vst.idx.msk $0xffff, v58  }
0x146: {  	v61 =	vor.u32 v3, v9;
	v10 =	vld.idx.msk [tilespmem:v60+s15+$0x0], $0xffff  }
0x147: {  	v62 =	vor.u32 v4, v8;
	_ =	sdelay $0x3  }
0x148: {  	[tilespmem:v61+s21+$0x0] =	vst.idx.msk $0xffff, v10  }
0x149: {  	v63 =	vor.u32 v5, v9;
	v10 =	vld.idx.msk [tilespmem:v62+s15+$0x0], $0xffff  }
0x14a: {  	v8 =	vor.u32 v6, v8;
	_ =	sdelay $0x3  }
0x14b: {  	[tilespmem:v63+s21+$0x0] =	vst.idx.msk $0xffff, v10  }
0x14c: {  	p0 =	sne.s32 s1, $0x1FF;
	v9 =	vor.u32 v7, v9;
	v8 =	vld.idx.msk [tilespmem:v8+s15+$0x0], $0xffff  }
.Ltmp0:
0x14d: {  	_ = 	snop;
	(pc) =	sbr.rel @p0 .LBB2_2-.Ltmp0, $2  }
0x14e: {  	_ =	sdelay $0x2  }
0x14f: {  	s2 =	sadd.s32 $0x10, s2;
	s1 =	sadd.s32 $0x10, s1;
	[tilespmem:v9+s21+$0x0] =	vst.idx.msk $0xffff, v8  }
0x150: {  	s3 =	sadd.s32 $0x1, s3  }
0x151: {  	s1 =	rddreg [dreg:$0x5];
	p0 =	sne.s32 s3, s7  }
.Ltmp1:
0x152: {  	s2 =	simm.s32 $0x1000;
	s4 =	simm.s32 $0x20000;
	(pc) =	sbr.rel @p0 .LBB2_1-.Ltmp1, $4  }
0x153: {  	[hbm4b:s1+s2] =	stream.strided.scatter [tilespmem:s21], [sflag:$0xB], $0x8000, s4, s2, $0x38;
	[tilespmem:$0x1C200] =	vst v63  }
0x154: {  	_ =	swait.ge [sflag:s6], $0x8000  }
0x155: {  	[sflag:s6] =	ssyncset.done $0x0  }
0x156: {  	[sflag:s6] =	ssyncadd.s32 $0xFFFF8000  }
0x157: {  	_ =	sfence.sel $0x180000  }
0x158: {  	[bflag:$0x0] =	sbarrier.arrive $0xFFFF  }
0x159: {  	_ =	strace $0x90000047  }
0x15a: {  	s0 =	stileid.u32;
	[bflag:$0x2] =	sbarrier.arrive $0xFFFF  }
0x15b: {  	p0 =	sne.s32 s0, $0x0;
	s0 =	rddreg [dreg:$0x3]  }
0x15c: {  	s0 =	sadd.s32 @!p0 $0x100000, s0  }
0x15d: {  	[sflag:s0] =	ssyncadd.tile.s32 @!p0 $0x1;
	_ =	shalt  }
.Lfunc_end2:
_tile_overlayer_lowered:
.L_overlay_start_2:
0x15e: {  	(tag) =	ssettag $0x2  }
0x15f: {  	s0 =	rddreg [dreg:$0x0];
	s2 =	stileid.u32  }
0x160: {  	s1 =	rddreg [dreg:$0x1];
	p0 =	sne.s32 s2, $0x0  }
0x161: {  	s3 =	rddreg [dreg:$0x2];
	[bflag:$0x3] =	sbarrier.arrive $0xFFFF;
	s2 =	simm.s32 @!p0 $0x1C0B  }
0x162: {  	[timem:s3], [sflag:s2] =	dma.local @!p0 [hbm:s0], s1  }
0x163: {  	s0 =	simm.s32 @!p0 $0xB  }
0x164: {  	_ =	swait.ge @!p0 [sflag:s0], s1  }
0x165: {  	s1 =	ssub.s32 @!p0 $0x0, s1;
	[sflag:s0] =	ssyncset.done @!p0 $0x0  }
0x166: {  	[sflag:s0] =	ssyncadd.s32 @!p0 s1  }
0x167: {  	[bflag:$0x3] =	sbarrier.arrive $0xFFFF  }
0x168: {  	_ =	shalt  }

</sc_bundles>
